<compile_context>
chip_gen: v7x
topology: tpu7x:2x2x1
jax: 0.10.2.dev20260603
libtpu: 0.0.44.dev20260713+nightly
codegen_flags: <defaults>
</compile_context>

<pallas_src>
import functools

import jax
import jax.numpy as jnp
from jax import lax
from jax.experimental import pallas as pl
from jax.experimental.pallas import tpu as pltpu
from jax.experimental.pallas import tpu_sc as plsc

NPTS = 512
L = 16
WAYS = 4


def _fps_sc_body(nsc, pos_hbm, out_hbm, xv, yv, zv, dist, outv, stage, pbuf, shared):
    n = xv.shape[0]
    quarter = dist.shape[0]
    s = lax.axis_index("s")
    c = lax.axis_index("c")
    g = s // WAYS
    m_id = lax.rem(s, WAYS)
    b = c * (nsc // 2) + g
    base = m_id * quarter

    pltpu.sync_copy(pos_hbm.at[pl.ds(pl.multiple_of((0 * nsc + b) * n, n), n)], xv)
    pltpu.sync_copy(pos_hbm.at[pl.ds(pl.multiple_of((1 * nsc + b) * n, n), n)], yv)
    pltpu.sync_copy(pos_hbm.at[pl.ds(pl.multiple_of((2 * nsc + b) * n, n), n)], zv)

    lanes = lax.iota(jnp.int32, L)

    @plsc.parallel_loop(0, quarter, L, unroll=8)
    def init_j(j):
        dist[pl.ds(pl.multiple_of(j, L), L)] = jnp.full((L,), 1e10, jnp.float32)

    def iter_i(t, carry):
        f, picks = carry
        fv = jnp.full((L,), f, jnp.int32)
        picks = jnp.where(lanes == t, fv, picks)
        cx = plsc.load_gather(xv, [fv])
        cy = plsc.load_gather(yv, [fv])
        cz = plsc.load_gather(zv, [fv])

        carry0 = tuple(
            (jnp.full((L,), -1.0, jnp.float32), jnp.zeros((L,), jnp.int32))
            for _ in range(8)
        )

        @plsc.parallel_loop(0, quarter, 8 * L, unroll=1, carry=carry0)
        def chunk(j, acc):
            new = []
            for k in range(8):
                mx, mi = acc[k]
                off = j + k * L
                ds_l = pl.ds(pl.multiple_of(off, L), L)
                ds_g = pl.ds(pl.multiple_of(base + off, L), L)
                dx = xv[ds_g] - cx
                dy = yv[ds_g] - cy
                dz = zv[ds_g] - cz
                d2 = dx * dx + (dy * dy + dz * dz)
                dv = jnp.minimum(dist[ds_l], d2)
                dist[ds_l] = dv
                gt = dv > mx
                new.append(
                    (
                        jnp.where(gt, dv, mx),
                        jnp.where(gt, jnp.full((L,), off, jnp.int32), mi),
                    )
                )
            return tuple(new)

        def mrg(a, bb):
            va, ia = a
            vb, ib = bb
            take_b = (vb > va) | ((vb == va) & (ib < ia))
            return jnp.where(take_b, vb, va), jnp.where(take_b, ib, ia)

        pairs = list(chunk)
        while len(pairs) > 1:
            pairs = [
                mrg(pairs[i], pairs[i + 1]) for i in range(0, len(pairs), 2)
            ]
        mx, mib = pairs[0]
        mi = jnp.full((L,), base, jnp.int32) + mib + lanes
        m = jnp.max(mx)
        cand = jnp.where(mx == m, mi, jnp.int32(n))
        li = jnp.min(cand)

        mvec = jnp.full((L,), m, jnp.float32)
        stage[...] = jnp.where(
            lanes == 0,
            plsc.bitcast(mvec, jnp.int32),
            jnp.full((L,), li, jnp.int32),
        )
        pltpu.sync_copy(stage, shared.at[pl.ds(pl.multiple_of(s * L, L), L)])
        plsc.subcore_barrier()
        pltpu.sync_copy(
            shared.at[pl.ds(pl.multiple_of(g * (WAYS * L), WAYS * L), WAYS * L)],
            pbuf,
        )
        bv = jnp.float32(-1.0)
        bi = jnp.int32(0)
        for k in range(WAYS):
            pv = pbuf[pl.ds(k * L, L)]
            pm = plsc.bitcast(pv, jnp.float32)[0]
            pi = pv[1]
            take = (pm > bv) | ((pm == bv) & (pi < bi))
            bv = jnp.where(take, pm, bv)
            bi = jnp.where(take, pi, bi)
        return bi, picks

    def outer_o(o, f):
        f, picks = lax.fori_loop(0, L, iter_i, (f, jnp.zeros((L,), jnp.int32)))
        outv[pl.ds(pl.multiple_of(o * L, L), L)] = picks
        return f

    lax.fori_loop(0, NPTS // L, outer_o, jnp.int32(0))

    @pl.when(m_id == 0)
    def _():
        pltpu.sync_copy(outv, out_hbm.at[pl.ds(pl.multiple_of(b * NPTS, NPTS), NPTS)])


def _fps_tc_body(xr, yr, zr, outr, dist):
    K, n = xr.shape
    ch = 128
    nch = n // ch
    lane_io = lax.broadcasted_iota(jnp.int32, (K, ch), 1)

    def init_j(j, carry):
        dist[:, pl.ds(pl.multiple_of(j * ch, ch), ch)] = jnp.full(
            (K, ch), 1e10, jnp.float32
        )
        return carry

    lax.fori_loop(0, nch, init_j, 0)

    def iter_t(t, carry):
        fi, cx, cy, cz, picks = carry
        picks = jnp.where(lane_io == t, fi, picks)
        zf = jnp.zeros((K, ch), jnp.float32)
        cxb = cx + zf
        cyb = cy + zf
        czb = cz + zf
        unr = 8

        def chunk(j, acc):
            new = []
            for k in range(unr):
                rmx, rmb, rcx, rcy, rcz = acc[k]
                jj = j * (unr * ch) + k * ch
                ds_ = pl.ds(pl.multiple_of(jj, ch), ch)
                xc = xr[:, ds_]
                yc = yr[:, ds_]
                zc = zr[:, ds_]
                dx = xc - cxb
                dy = yc - cyb
                dz = zc - czb
                d2 = dx * dx + (dy * dy + dz * dz)
                dv = jnp.minimum(dist[:, ds_], d2)
                dist[:, ds_] = dv
                gt = dv > rmx
                new.append(
                    (
                        jnp.where(gt, dv, rmx),
                        jnp.where(gt, jnp.full((K, ch), jj, jnp.int32), rmb),
                        jnp.where(gt, xc, rcx),
                        jnp.where(gt, yc, rcy),
                        jnp.where(gt, zc, rcz),
                    )
                )
            return tuple(new)

        z32 = jnp.zeros((K, ch), jnp.int32)
        acc0 = tuple(
            (jnp.full((K, ch), -1.0, jnp.float32), z32, zf, zf, zf)
            for _ in range(unr)
        )
        accs = lax.fori_loop(0, nch // unr, chunk, acc0)

        def mrg(a, bb):
            take_b = (bb[0] > a[0]) | ((bb[0] == a[0]) & (bb[1] < a[1]))
            return tuple(jnp.where(take_b, y, x) for x, y in zip(a, bb))

        pairs = list(accs)
        while len(pairs) > 1:
            pairs = [
                mrg(pairs[i], pairs[i + 1]) for i in range(0, len(pairs), 2)
            ]
        rmx, rmb, rcx, rcy, rcz = pairs[0]
        idxm = rmb + lane_io
        m = jnp.max(rmx, axis=1, keepdims=True)
        ci = jnp.where(rmx == m, idxm, jnp.int32(n))
        fi_new = jnp.min(ci, axis=1, keepdims=True)
        w = ci == fi_new
        cx_n = jnp.sum(jnp.where(w, rcx, 0.0), axis=1, keepdims=True)
        cy_n = jnp.sum(jnp.where(w, rcy, 0.0), axis=1, keepdims=True)
        cz_n = jnp.sum(jnp.where(w, rcz, 0.0), axis=1, keepdims=True)
        return fi_new, cx_n, cy_n, cz_n, picks

    def outer_t(o, carry):
        fi, cx, cy, cz = carry
        fi, cx, cy, cz, picks = lax.fori_loop(
            0,
            ch,
            iter_t,
            (fi, cx, cy, cz, jnp.zeros((K, ch), jnp.int32)),
        )
        outr[:, pl.ds(pl.multiple_of(o * ch, ch), ch)] = picks
        return fi, cx, cy, cz

    fi0 = jnp.zeros((K, 1), jnp.int32)
    lax.fori_loop(
        0, NPTS // ch, outer_t, (fi0, xr[:, 0:1], yr[:, 0:1], zr[:, 0:1])
    )


def kernel(pos):
    B, N, C = pos.shape
    nsc = B // 2
    ntc = B - nsc
    pos_flat = jnp.transpose(pos[:nsc], (2, 0, 1)).reshape(3 * nsc * N)
    mesh = plsc.VectorSubcoreMesh(core_axis_name="c", subcore_axis_name="s")
    sc_fps = pl.kernel(
        functools.partial(_fps_sc_body, nsc),
        mesh=mesh,
        compiler_params=pltpu.CompilerParams(needs_layout_passes=False),
        out_type=jax.ShapeDtypeStruct((nsc * NPTS,), jnp.int32),
        scratch_types=[
            pltpu.VMEM((N,), jnp.float32),
            pltpu.VMEM((N,), jnp.float32),
            pltpu.VMEM((N,), jnp.float32),
            pltpu.VMEM((N // WAYS,), jnp.float32),
            pltpu.VMEM((NPTS,), jnp.int32),
            pltpu.VMEM((L,), jnp.int32),
            pltpu.VMEM((WAYS * L,), jnp.int32),
            pltpu.VMEM_SHARED((16 * L,), jnp.int32),
        ],
    )
    xt = pos[nsc:, :, 0]
    yt = pos[nsc:, :, 1]
    zt = pos[nsc:, :, 2]
    tc_out = pl.pallas_call(
        _fps_tc_body,
        out_shape=jax.ShapeDtypeStruct((ntc, NPTS), jnp.int32),
        scratch_shapes=[pltpu.VMEM((ntc, N), jnp.float32)],
    )(xt, yt, zt)

    sc_out = sc_fps(pos_flat).reshape(nsc, NPTS)
    return jnp.concatenate([sc_out, tc_out], axis=0)

# --- scband reference (transcript-rebuilt; emitter-appended) ---
"""Pipeline reference for scband-farthest-point-sampler-33698313404545 (READ-ONLY COPY).

The authoritative reference and input builder live on the scoring server;
editing this copy changes nothing except your own understanding.
"""

import jax, jax.numpy as jnp
import numpy as np
from jax import lax

NPOINTS = 512

def setup_inputs(seed: int = 0) -> dict:
    key = jax.random.key(seed)
    pos = jax.random.normal(key, (16, 16384, 3), dtype=jnp.float32)
    return {"pos": pos}

def reference(pos):
    # Farthest Point Sampling, faithful to the torch loop.
    # torch.randint initial seed replaced by deterministic index 0 per batch.
    B, N, C = pos.shape
    batch_idx = jnp.arange(B)
    distance0 = jnp.full((B, N), 1e10, dtype=pos.dtype)
    farthest0 = jnp.zeros((B,), dtype=jnp.int32)

    def step(carry, _):
        distance, farthest = carry
        # centroids[:, i] = farthest (recorded as scan output)
        centroid = pos[batch_idx, farthest, :][:, None, :]        # [B,1,C] gather
        dist = jnp.sum((pos - centroid) ** 2, axis=-1)            # [B,N]
        # distance[mask] = dist[mask] where dist < distance  ==  elementwise min
        distance = jnp.minimum(distance, dist)
        new_farthest = jnp.argmax(distance, axis=-1).astype(jnp.int32)
        return (distance, new_farthest), farthest

    (_, _), centroids_t = lax.scan(step, (distance0, farthest0), None, length=NPOINTS)
    centroids = jnp.transpose(centroids_t)  # [B, npoints]
    return centroids

if __name__ == "__main__":
    import jax
    _d = setup_inputs()
    print(jax.jit(kernel)(*tuple(_d.values())))

</pallas_src>

<mosaic_0001>
#map = affine_map<(d0, d1) -> (0)>
module attributes {stable_mosaic.version = 14 : i64} {
  func.func @_fps_sc_body(%arg0: i32, %arg1: i32, %arg2: memref<393216xf32, #tpu.memory_space<hbm>>, %arg3: memref<4096xi32, #tpu.memory_space<hbm>>, %arg4: memref<16384xf32, #tpu.memory_space<vmem>>, %arg5: memref<16384xf32, #tpu.memory_space<vmem>>, %arg6: memref<16384xf32, #tpu.memory_space<vmem>>, %arg7: memref<4096xf32, #tpu.memory_space<vmem>>, %arg8: memref<512xi32, #tpu.memory_space<vmem>>, %arg9: memref<16xi32, #tpu.memory_space<vmem>>, %arg10: memref<64xi32, #tpu.memory_space<vmem>>, %arg11: memref<256xi32, #tpu.memory_space<vmem_shared>>) attributes {dimension_semantics = [#tpu.dimension_semantics<core_parallel>, #tpu.dimension_semantics<subcore_parallel>], iteration_bounds = array<i64: 2, 16>, scalar_prefetch = 0 : i64, scratch_operands = 8 : i64, tpu.core_type = #tpu.core_type<sc_vector_subcore>, window_params = [{transform_indices = #map}, {transform_indices = #map}]} {
    %jit3A = arith.constant 4 : i32
    %div3A = arith.divsi %arg1, %jit3A : i32
    %sign3A = arith.constant 0 : i32
    %sign3A_0 = arith.cmpi sgt, %arg1, %sign3A : i32
    %sign3A_1 = arith.extui %sign3A_0 : i1 to i32
    %sign3A_2 = arith.constant 0 : i32
    %sign3A_3 = arith.cmpi slt, %arg1, %sign3A_2 : i32
    %sign3A_4 = arith.extui %sign3A_3 : i1 to i32
    %sign3A_5 = arith.subi %sign3A_1, %sign3A_4 : i32
    %sign3A_6 = arith.constant 0 : i32
    %sign3A_7 = arith.cmpi sgt, %jit3A, %sign3A_6 : i32
    %sign3A_8 = arith.extui %sign3A_7 : i1 to i32
    %sign3A_9 = arith.constant 0 : i32
    %sign3A_10 = arith.cmpi slt, %jit3A, %sign3A_9 : i32
    %sign3A_11 = arith.extui %sign3A_10 : i1 to i32
    %sign3A_12 = arith.subi %sign3A_8, %sign3A_11 : i32
    %ne3A = arith.cmpi ne, %sign3A_5, %sign3A_12 : i32
    %rem3A = arith.remsi %arg1, %jit3A : i32
    %ne3A_13 = arith.constant 0 : i32
    %ne3A_14 = arith.cmpi ne, %rem3A, %ne3A_13 : i32
    %and3A = arith.andi %ne3A, %ne3A_14 : i1
    %sub3A = arith.constant 1 : i32
    %sub3A_15 = arith.subi %div3A, %sub3A : i32
    %select_n3A = arith.select %and3A, %sub3A_15, %div3A : i32
    %rem3A_16 = arith.constant 4 : i32
    %rem3A_17 = arith.remsi %arg1, %rem3A_16 : i32
    %mul3A = arith.constant 4 : i32
    %mul3A_18 = arith.muli %arg0, %mul3A : i32
    %add3A = arith.addi %mul3A_18, %select_n3A : i32
    %mul3A_19 = arith.constant 4096 : i32
    %mul3A_20 = arith.muli %rem3A_17, %mul3A_19 : i32
    %add3A_21 = arith.constant 0 : i32
    %add3A_22 = arith.addi %add3A_21, %add3A : i32
    %mul3A_23 = arith.constant 16384 : i32
    %mul3A_24 = arith.muli %add3A_22, %mul3A_23 : i32
    %multiple_of3A = tpu.assume_multiple %mul3A_24, 16384 : i32
    "tpu.region"() ({
      %run_scoped3A = tpu.sem_alloc : memref<!tpu.dma_semaphore, #tpu.memory_space<semaphore_mem>>
      %dma_start3A = tpu.memref_slice %arg2[%multiple_of3A] : memref<393216xf32, #tpu.memory_space<hbm>> -> memref<16384xf32, #tpu.memory_space<hbm>>
      %dma_start3A_45 = tpu.memref_slice %arg2[%multiple_of3A] : memref<393216xf32, #tpu.memory_space<hbm>> -> memref<16384xf32, #tpu.memory_space<hbm>>
      tpu.enqueue_dma source(%dma_start3A_45 : memref<16384xf32, #tpu.memory_space<hbm>>) target(%arg4 : memref<16384xf32, #tpu.memory_space<vmem>>) target_semaphore(%run_scoped3A : memref<!tpu.dma_semaphore, #tpu.memory_space<semaphore_mem>>)
      %dma_wait3A = tpu.memref_slice %arg2[%multiple_of3A] : memref<393216xf32, #tpu.memory_space<hbm>> -> memref<16384xf32, #tpu.memory_space<hbm>>
      %dma_wait3A_46 = tpu.memref_slice %arg2[%multiple_of3A] : memref<393216xf32, #tpu.memory_space<hbm>> -> memref<16384xf32, #tpu.memory_space<hbm>>
      tpu.wait_dma2 semaphore(%run_scoped3A : memref<!tpu.dma_semaphore, #tpu.memory_space<semaphore_mem>>) src(%dma_wait3A_46 : memref<16384xf32, #tpu.memory_space<hbm>>) dst(%arg4 : memref<16384xf32, #tpu.memory_space<vmem>>)
      tpu.yield
    }) : () -> ()
    %add3A_25 = arith.constant 8 : i32
    %add3A_26 = arith.addi %add3A_25, %add3A : i32
    %mul3A_27 = arith.constant 16384 : i32
    %mul3A_28 = arith.muli %add3A_26, %mul3A_27 : i32
    %multiple_of3A_29 = tpu.assume_multiple %mul3A_28, 16384 : i32
    "tpu.region"() ({
      %run_scoped3A = tpu.sem_alloc : memref<!tpu.dma_semaphore, #tpu.memory_space<semaphore_mem>>
      %dma_start3A = tpu.memref_slice %arg2[%multiple_of3A_29] : memref<393216xf32, #tpu.memory_space<hbm>> -> memref<16384xf32, #tpu.memory_space<hbm>>
      %dma_start3A_45 = tpu.memref_slice %arg2[%multiple_of3A_29] : memref<393216xf32, #tpu.memory_space<hbm>> -> memref<16384xf32, #tpu.memory_space<hbm>>
      tpu.enqueue_dma source(%dma_start3A_45 : memref<16384xf32, #tpu.memory_space<hbm>>) target(%arg5 : memref<16384xf32, #tpu.memory_space<vmem>>) target_semaphore(%run_scoped3A : memref<!tpu.dma_semaphore, #tpu.memory_space<semaphore_mem>>)
      %dma_wait3A = tpu.memref_slice %arg2[%multiple_of3A_29] : memref<393216xf32, #tpu.memory_space<hbm>> -> memref<16384xf32, #tpu.memory_space<hbm>>
      %dma_wait3A_46 = tpu.memref_slice %arg2[%multiple_of3A_29] : memref<393216xf32, #tpu.memory_space<hbm>> -> memref<16384xf32, #tpu.memory_space<hbm>>
      tpu.wait_dma2 semaphore(%run_scoped3A : memref<!tpu.dma_semaphore, #tpu.memory_space<semaphore_mem>>) src(%dma_wait3A_46 : memref<16384xf32, #tpu.memory_space<hbm>>) dst(%arg5 : memref<16384xf32, #tpu.memory_space<vmem>>)
      tpu.yield
    }) : () -> ()
    %add3A_30 = arith.constant 16 : i32
    %add3A_31 = arith.addi %add3A_30, %add3A : i32
    %mul3A_32 = arith.constant 16384 : i32
    %mul3A_33 = arith.muli %add3A_31, %mul3A_32 : i32
    %multiple_of3A_34 = tpu.assume_multiple %mul3A_33, 16384 : i32
    "tpu.region"() ({
      %run_scoped3A = tpu.sem_alloc : memref<!tpu.dma_semaphore, #tpu.memory_space<semaphore_mem>>
      %dma_start3A = tpu.memref_slice %arg2[%multiple_of3A_34] : memref<393216xf32, #tpu.memory_space<hbm>> -> memref<16384xf32, #tpu.memory_space<hbm>>
      %dma_start3A_45 = tpu.memref_slice %arg2[%multiple_of3A_34] : memref<393216xf32, #tpu.memory_space<hbm>> -> memref<16384xf32, #tpu.memory_space<hbm>>
      tpu.enqueue_dma source(%dma_start3A_45 : memref<16384xf32, #tpu.memory_space<hbm>>) target(%arg6 : memref<16384xf32, #tpu.memory_space<vmem>>) target_semaphore(%run_scoped3A : memref<!tpu.dma_semaphore, #tpu.memory_space<semaphore_mem>>)
      %dma_wait3A = tpu.memref_slice %arg2[%multiple_of3A_34] : memref<393216xf32, #tpu.memory_space<hbm>> -> memref<16384xf32, #tpu.memory_space<hbm>>
      %dma_wait3A_46 = tpu.memref_slice %arg2[%multiple_of3A_34] : memref<393216xf32, #tpu.memory_space<hbm>> -> memref<16384xf32, #tpu.memory_space<hbm>>
      tpu.wait_dma2 semaphore(%run_scoped3A : memref<!tpu.dma_semaphore, #tpu.memory_space<semaphore_mem>>) src(%dma_wait3A_46 : memref<16384xf32, #tpu.memory_space<hbm>>) dst(%arg6 : memref<16384xf32, #tpu.memory_space<vmem>>)
      tpu.yield
    }) : () -> ()
    %iota3A = tpu.iota {dimensions = array<i32: 0>} : vector<16xi32>
    %parallel_loop3A = arith.constant 0 : i32
    %parallel_loop3A_35 = arith.constant 4096 : i32
    %parallel_loop3A_36 = arith.constant 16 : i32
    scf.for %parallel_loop3A_45 = %parallel_loop3A to %parallel_loop3A_35 step %parallel_loop3A_36  : i32 {
      %parallel_loop3A_46 = arith.constant 1.000000e+10 : f32
      %parallel_loop3A_47 = vector.broadcast %parallel_loop3A_46 : f32 to vector<16xf32>
      %parallel_loop3A_48 = tpu.assume_multiple %parallel_loop3A_45, 16 : i32
      %parallel_loop3A_49 = arith.index_cast %parallel_loop3A_48 : i32 to index
      %parallel_loop3A_50 = tpu.vector_load %arg7[%parallel_loop3A_49] {strides = array<i32>} : memref<4096xf32, #tpu.memory_space<vmem>>, vector<16xf32>,
      tpu.vector_store %arg7[%parallel_loop3A_49], %parallel_loop3A_47 {strides = array<i32>} : memref<4096xf32, #tpu.memory_space<vmem>>, vector<16xf32>,
    } {sc.loop_unroll_factor = 8 : i64, sc.parallel_access}
    %scan3A = arith.constant 0 : i32
    %scan3A_37 = arith.constant 0 : i32
    %scan3A_38 = arith.constant 32 : i32
    %scan3A_39 = arith.addi %scan3A_37, %scan3A_38 : i32
    %scan3A_40 = arith.constant 1 : i32
    %scan3A_41 = scf.for %scan3A_45 = %scan3A_37 to %scan3A_39 step %scan3A_40 iter_args(%scan3A_46 = %scan3A) -> (i32)  : i32 {
      %broadcast_in_dim3A = arith.constant 0 : i32
      %broadcast_in_dim3A_47 = vector.broadcast %broadcast_in_dim3A : i32 to vector<16xi32>
      %scan3A_48 = arith.constant 0 : i32
      %scan3A_49 = arith.constant 16 : i32
      %scan3A_50 = arith.addi %scan3A_48, %scan3A_49 : i32
      %scan3A_51 = arith.constant 1 : i32
      %scan3A_52:2 = scf.for %scan3A_58 = %scan3A_48 to %scan3A_50 step %scan3A_51 iter_args(%scan3A_59 = %scan3A_46, %scan3A_60 = %broadcast_in_dim3A_47) -> (i32, vector<16xi32>)  : i32 {
        %broadcast_in_dim3A_61 = vector.broadcast %scan3A_59 : i32 to vector<16xi32>
        %eq3A_62 = vector.broadcast %scan3A_58 : i32 to vector<16xi32>
        %eq3A_63 = arith.cmpi eq, %iota3A, %eq3A_62 : vector<16xi32>
        %select_n3A_64 = arith.select %eq3A_63, %broadcast_in_dim3A_61, %scan3A_60 : vector<16xi1>, vector<16xi32>
        %gather3A = tpu.vector_load_idx %arg4[%broadcast_in_dim3A_61] : memref<16384xf32, #tpu.memory_space<vmem>>[vector<16xi32>], vector<16xf32>,
        %gather3A_65 = tpu.vector_load_idx %arg5[%broadcast_in_dim3A_61] : memref<16384xf32, #tpu.memory_space<vmem>>[vector<16xi32>], vector<16xf32>,
        %gather3A_66 = tpu.vector_load_idx %arg6[%broadcast_in_dim3A_61] : memref<16384xf32, #tpu.memory_space<vmem>>[vector<16xi32>], vector<16xf32>,
        %broadcast_in_dim3A_67 = arith.constant -1.000000e+00 : f32
        %broadcast_in_dim3A_68 = vector.broadcast %broadcast_in_dim3A_67 : f32 to vector<16xf32>
        %broadcast_in_dim3A_69 = arith.constant 0 : i32
        %broadcast_in_dim3A_70 = vector.broadcast %broadcast_in_dim3A_69 : i32 to vector<16xi32>
        %broadcast_in_dim3A_71 = arith.constant -1.000000e+00 : f32
        %broadcast_in_dim3A_72 = vector.broadcast %broadcast_in_dim3A_71 : f32 to vector<16xf32>
        %broadcast_in_dim3A_73 = arith.constant 0 : i32
        %broadcast_in_dim3A_74 = vector.broadcast %broadcast_in_dim3A_73 : i32 to vector<16xi32>
        %broadcast_in_dim3A_75 = arith.constant -1.000000e+00 : f32
        %broadcast_in_dim3A_76 = vector.broadcast %broadcast_in_dim3A_75 : f32 to vector<16xf32>
        %broadcast_in_dim3A_77 = arith.constant 0 : i32
        %broadcast_in_dim3A_78 = vector.broadcast %broadcast_in_dim3A_77 : i32 to vector<16xi32>
        %broadcast_in_dim3A_79 = arith.constant -1.000000e+00 : f32
        %broadcast_in_dim3A_80 = vector.broadcast %broadcast_in_dim3A_79 : f32 to vector<16xf32>
        %broadcast_in_dim3A_81 = arith.constant 0 : i32
        %broadcast_in_dim3A_82 = vector.broadcast %broadcast_in_dim3A_81 : i32 to vector<16xi32>
        %broadcast_in_dim3A_83 = arith.constant -1.000000e+00 : f32
        %broadcast_in_dim3A_84 = vector.broadcast %broadcast_in_dim3A_83 : f32 to vector<16xf32>
        %broadcast_in_dim3A_85 = arith.constant 0 : i32
        %broadcast_in_dim3A_86 = vector.broadcast %broadcast_in_dim3A_85 : i32 to vector<16xi32>
        %broadcast_in_dim3A_87 = arith.constant -1.000000e+00 : f32
        %broadcast_in_dim3A_88 = vector.broadcast %broadcast_in_dim3A_87 : f32 to vector<16xf32>
        %broadcast_in_dim3A_89 = arith.constant 0 : i32
        %broadcast_in_dim3A_90 = vector.broadcast %broadcast_in_dim3A_89 : i32 to vector<16xi32>
        %broadcast_in_dim3A_91 = arith.constant -1.000000e+00 : f32
        %broadcast_in_dim3A_92 = vector.broadcast %broadcast_in_dim3A_91 : f32 to vector<16xf32>
        %broadcast_in_dim3A_93 = arith.constant 0 : i32
        %broadcast_in_dim3A_94 = vector.broadcast %broadcast_in_dim3A_93 : i32 to vector<16xi32>
        %broadcast_in_dim3A_95 = arith.constant -1.000000e+00 : f32
        %broadcast_in_dim3A_96 = vector.broadcast %broadcast_in_dim3A_95 : f32 to vector<16xf32>
        %broadcast_in_dim3A_97 = arith.constant 0 : i32
        %broadcast_in_dim3A_98 = vector.broadcast %broadcast_in_dim3A_97 : i32 to vector<16xi32>
        %parallel_loop3A_99 = arith.constant 0 : i32
        %parallel_loop3A_100 = arith.constant 4096 : i32
        %parallel_loop3A_101 = arith.constant 128 : i32
        %parallel_loop3A_102:16 = scf.for %parallel_loop3A_239 = %parallel_loop3A_99 to %parallel_loop3A_100 step %parallel_loop3A_101 iter_args(%parallel_loop3A_240 = %broadcast_in_dim3A_68, %parallel_loop3A_241 = %broadcast_in_dim3A_70, %parallel_loop3A_242 = %broadcast_in_dim3A_72, %parallel_loop3A_243 = %broadcast_in_dim3A_74, %parallel_loop3A_244 = %broadcast_in_dim3A_76, %parallel_loop3A_245 = %broadcast_in_dim3A_78, %parallel_loop3A_246 = %broadcast_in_dim3A_80, %parallel_loop3A_247 = %broadcast_in_dim3A_82, %parallel_loop3A_248 = %broadcast_in_dim3A_84, %parallel_loop3A_249 = %broadcast_in_dim3A_86, %parallel_loop3A_250 = %broadcast_in_dim3A_88, %parallel_loop3A_251 = %broadcast_in_dim3A_90, %parallel_loop3A_252 = %broadcast_in_dim3A_92, %parallel_loop3A_253 = %broadcast_in_dim3A_94, %parallel_loop3A_254 = %broadcast_in_dim3A_96, %parallel_loop3A_255 = %broadcast_in_dim3A_98) -> (vector<16xf32>, vector<16xi32>, vector<16xf32>, vector<16xi32>, vector<16xf32>, vector<16xi32>, vector<16xf32>, vector<16xi32>, vector<16xf32>, vector<16xi32>, vector<16xf32>, vector<16xi32>, vector<16xf32>, vector<16xi32>, vector<16xf32>, vector<16xi32>)  : i32 {
          %parallel_loop3A_256 = arith.constant 0 : i32
          %parallel_loop3A_257 = arith.addi %parallel_loop3A_239, %parallel_loop3A_256 : i32
          %parallel_loop3A_258 = tpu.assume_multiple %parallel_loop3A_257, 16 : i32
          %parallel_loop3A_259 = arith.addi %mul3A_20, %parallel_loop3A_257 : i32
          %parallel_loop3A_260 = tpu.assume_multiple %parallel_loop3A_259, 16 : i32
          %parallel_loop3A_261 = arith.index_cast %parallel_loop3A_260 : i32 to index
          %parallel_loop3A_262 = tpu.vector_load %arg4[%parallel_loop3A_261] {strides = array<i32>} : memref<16384xf32, #tpu.memory_space<vmem>>, vector<16xf32>,
          %parallel_loop3A_263 = arith.subf %parallel_loop3A_262, %gather3A : vector<16xf32>
          %parallel_loop3A_264 = arith.index_cast %parallel_loop3A_260 : i32 to index
          %parallel_loop3A_265 = tpu.vector_load %arg5[%parallel_loop3A_264] {strides = array<i32>} : memref<16384xf32, #tpu.memory_space<vmem>>, vector<16xf32>,
          %parallel_loop3A_266 = arith.subf %parallel_loop3A_265, %gather3A_65 : vector<16xf32>
          %parallel_loop3A_267 = arith.index_cast %parallel_loop3A_260 : i32 to index
          %parallel_loop3A_268 = tpu.vector_load %arg6[%parallel_loop3A_267] {strides = array<i32>} : memref<16384xf32, #tpu.memory_space<vmem>>, vector<16xf32>,
          %parallel_loop3A_269 = arith.subf %parallel_loop3A_268, %gather3A_66 : vector<16xf32>
          %parallel_loop3A_270 = arith.mulf %parallel_loop3A_263, %parallel_loop3A_263 : vector<16xf32>
          %parallel_loop3A_271 = arith.mulf %parallel_loop3A_266, %parallel_loop3A_266 : vector<16xf32>
          %parallel_loop3A_272 = arith.mulf %parallel_loop3A_269, %parallel_loop3A_269 : vector<16xf32>
          %parallel_loop3A_273 = arith.addf %parallel_loop3A_271, %parallel_loop3A_272 : vector<16xf32>
          %parallel_loop3A_274 = arith.addf %parallel_loop3A_270, %parallel_loop3A_273 : vector<16xf32>
          %parallel_loop3A_275 = arith.index_cast %parallel_loop3A_258 : i32 to index
          %parallel_loop3A_276 = tpu.vector_load %arg7[%parallel_loop3A_275] {strides = array<i32>} : memref<4096xf32, #tpu.memory_space<vmem>>, vector<16xf32>,
          %parallel_loop3A_277 = arith.minimumf %parallel_loop3A_276, %parallel_loop3A_274 : vector<16xf32>
          %parallel_loop3A_278 = arith.index_cast %parallel_loop3A_258 : i32 to index
          %parallel_loop3A_279 = tpu.vector_load %arg7[%parallel_loop3A_278] {strides = array<i32>} : memref<4096xf32, #tpu.memory_space<vmem>>, vector<16xf32>,
          tpu.vector_store %arg7[%parallel_loop3A_278], %parallel_loop3A_277 {strides = array<i32>} : memref<4096xf32, #tpu.memory_space<vmem>>, vector<16xf32>,
          %parallel_loop3A_280 = arith.cmpf ogt, %parallel_loop3A_277, %parallel_loop3A_240 : vector<16xf32>
          %parallel_loop3A_281 = arith.select %parallel_loop3A_280, %parallel_loop3A_277, %parallel_loop3A_240 : vector<16xi1>, vector<16xf32>
          %parallel_loop3A_282 = vector.broadcast %parallel_loop3A_257 : i32 to vector<16xi32>
          %parallel_loop3A_283 = arith.select %parallel_loop3A_280, %parallel_loop3A_282, %parallel_loop3A_241 : vector<16xi1>, vector<16xi32>
          %parallel_loop3A_284 = arith.constant 16 : i32
          %parallel_loop3A_285 = arith.addi %parallel_loop3A_239, %parallel_loop3A_284 : i32
          %parallel_loop3A_286 = tpu.assume_multiple %parallel_loop3A_285, 16 : i32
          %parallel_loop3A_287 = arith.addi %mul3A_20, %parallel_loop3A_285 : i32
          %parallel_loop3A_288 = tpu.assume_multiple %parallel_loop3A_287, 16 : i32
          %parallel_loop3A_289 = arith.index_cast %parallel_loop3A_288 : i32 to index
          %parallel_loop3A_290 = tpu.vector_load %arg4[%parallel_loop3A_289] {strides = array<i32>} : memref<16384xf32, #tpu.memory_space<vmem>>, vector<16xf32>,
          %parallel_loop3A_291 = arith.subf %parallel_loop3A_290, %gather3A : vector<16xf32>
          %parallel_loop3A_292 = arith.index_cast %parallel_loop3A_288 : i32 to index
          %parallel_loop3A_293 = tpu.vector_load %arg5[%parallel_loop3A_292] {strides = array<i32>} : memref<16384xf32, #tpu.memory_space<vmem>>, vector<16xf32>,
          %parallel_loop3A_294 = arith.subf %parallel_loop3A_293, %gather3A_65 : vector<16xf32>
          %parallel_loop3A_295 = arith.index_cast %parallel_loop3A_288 : i32 to index
          %parallel_loop3A_296 = tpu.vector_load %arg6[%parallel_loop3A_295] {strides = array<i32>} : memref<16384xf32, #tpu.memory_space<vmem>>, vector<16xf32>,
          %parallel_loop3A_297 = arith.subf %parallel_loop3A_296, %gather3A_66 : vector<16xf32>
          %parallel_loop3A_298 = arith.mulf %parallel_loop3A_291, %parallel_loop3A_291 : vector<16xf32>
          %parallel_loop3A_299 = arith.mulf %parallel_loop3A_294, %parallel_loop3A_294 : vector<16xf32>
          %parallel_loop3A_300 = arith.mulf %parallel_loop3A_297, %parallel_loop3A_297 : vector<16xf32>
          %parallel_loop3A_301 = arith.addf %parallel_loop3A_299, %parallel_loop3A_300 : vector<16xf32>
          %parallel_loop3A_302 = arith.addf %parallel_loop3A_298, %parallel_loop3A_301 : vector<16xf32>
          %parallel_loop3A_303 = arith.index_cast %parallel_loop3A_286 : i32 to index
          %parallel_loop3A_304 = tpu.vector_load %arg7[%parallel_loop3A_303] {strides = array<i32>} : memref<4096xf32, #tpu.memory_space<vmem>>, vector<16xf32>,
          %parallel_loop3A_305 = arith.minimumf %parallel_loop3A_304, %parallel_loop3A_302 : vector<16xf32>
          %parallel_loop3A_306 = arith.index_cast %parallel_loop3A_286 : i32 to index
          %parallel_loop3A_307 = tpu.vector_load %arg7[%parallel_loop3A_306] {strides = array<i32>} : memref<4096xf32, #tpu.memory_space<vmem>>, vector<16xf32>,
          tpu.vector_store %arg7[%parallel_loop3A_306], %parallel_loop3A_305 {strides = array<i32>} : memref<4096xf32, #tpu.memory_space<vmem>>, vector<16xf32>,
          %parallel_loop3A_308 = arith.cmpf ogt, %parallel_loop3A_305, %parallel_loop3A_242 : vector<16xf32>
          %parallel_loop3A_309 = arith.select %parallel_loop3A_308, %parallel_loop3A_305, %parallel_loop3A_242 : vector<16xi1>, vector<16xf32>
          %parallel_loop3A_310 = vector.broadcast %parallel_loop3A_285 : i32 to vector<16xi32>
          %parallel_loop3A_311 = arith.select %parallel_loop3A_308, %parallel_loop3A_310, %parallel_loop3A_243 : vector<16xi1>, vector<16xi32>
          %parallel_loop3A_312 = arith.constant 32 : i32
          %parallel_loop3A_313 = arith.addi %parallel_loop3A_239, %parallel_loop3A_312 : i32
          %parallel_loop3A_314 = tpu.assume_multiple %parallel_loop3A_313, 16 : i32
          %parallel_loop3A_315 = arith.addi %mul3A_20, %parallel_loop3A_313 : i32
          %parallel_loop3A_316 = tpu.assume_multiple %parallel_loop3A_315, 16 : i32
          %parallel_loop3A_317 = arith.index_cast %parallel_loop3A_316 : i32 to index
          %parallel_loop3A_318 = tpu.vector_load %arg4[%parallel_loop3A_317] {strides = array<i32>} : memref<16384xf32, #tpu.memory_space<vmem>>, vector<16xf32>,
          %parallel_loop3A_319 = arith.subf %parallel_loop3A_318, %gather3A : vector<16xf32>
          %parallel_loop3A_320 = arith.index_cast %parallel_loop3A_316 : i32 to index
          %parallel_loop3A_321 = tpu.vector_load %arg5[%parallel_loop3A_320] {strides = array<i32>} : memref<16384xf32, #tpu.memory_space<vmem>>, vector<16xf32>,
          %parallel_loop3A_322 = arith.subf %parallel_loop3A_321, %gather3A_65 : vector<16xf32>
          %parallel_loop3A_323 = arith.index_cast %parallel_loop3A_316 : i32 to index
          %parallel_loop3A_324 = tpu.vector_load %arg6[%parallel_loop3A_323] {strides = array<i32>} : memref<16384xf32, #tpu.memory_space<vmem>>, vector<16xf32>,
          %parallel_loop3A_325 = arith.subf %parallel_loop3A_324, %gather3A_66 : vector<16xf32>
          %parallel_loop3A_326 = arith.mulf %parallel_loop3A_319, %parallel_loop3A_319 : vector<16xf32>
          %parallel_loop3A_327 = arith.mulf %parallel_loop3A_322, %parallel_loop3A_322 : vector<16xf32>
          %parallel_loop3A_328 = arith.mulf %parallel_loop3A_325, %parallel_loop3A_325 : vector<16xf32>
          %parallel_loop3A_329 = arith.addf %parallel_loop3A_327, %parallel_loop3A_328 : vector<16xf32>
          %parallel_loop3A_330 = arith.addf %parallel_loop3A_326, %parallel_loop3A_329 : vector<16xf32>
          %parallel_loop3A_331 = arith.index_cast %parallel_loop3A_314 : i32 to index
          %parallel_loop3A_332 = tpu.vector_load %arg7[%parallel_loop3A_331] {strides = array<i32>} : memref<4096xf32, #tpu.memory_space<vmem>>, vector<16xf32>,
          %parallel_loop3A_333 = arith.minimumf %parallel_loop3A_332, %parallel_loop3A_330 : vector<16xf32>
          %parallel_loop3A_334 = arith.index_cast %parallel_loop3A_314 : i32 to index
          %parallel_loop3A_335 = tpu.vector_load %arg7[%parallel_loop3A_334] {strides = array<i32>} : memref<4096xf32, #tpu.memory_space<vmem>>, vector<16xf32>,
          tpu.vector_store %arg7[%parallel_loop3A_334], %parallel_loop3A_333 {strides = array<i32>} : memref<4096xf32, #tpu.memory_space<vmem>>, vector<16xf32>,
          %parallel_loop3A_336 = arith.cmpf ogt, %parallel_loop3A_333, %parallel_loop3A_244 : vector<16xf32>
          %parallel_loop3A_337 = arith.select %parallel_loop3A_336, %parallel_loop3A_333, %parallel_loop3A_244 : vector<16xi1>, vector<16xf32>
          %parallel_loop3A_338 = vector.broadcast %parallel_loop3A_313 : i32 to vector<16xi32>
          %parallel_loop3A_339 = arith.select %parallel_loop3A_336, %parallel_loop3A_338, %parallel_loop3A_245 : vector<16xi1>, vector<16xi32>
          %parallel_loop3A_340 = arith.constant 48 : i32
          %parallel_loop3A_341 = arith.addi %parallel_loop3A_239, %parallel_loop3A_340 : i32
          %parallel_loop3A_342 = tpu.assume_multiple %parallel_loop3A_341, 16 : i32
          %parallel_loop3A_343 = arith.addi %mul3A_20, %parallel_loop3A_341 : i32
          %parallel_loop3A_344 = tpu.assume_multiple %parallel_loop3A_343, 16 : i32
          %parallel_loop3A_345 = arith.index_cast %parallel_loop3A_344 : i32 to index
          %parallel_loop3A_346 = tpu.vector_load %arg4[%parallel_loop3A_345] {strides = array<i32>} : memref<16384xf32, #tpu.memory_space<vmem>>, vector<16xf32>,
          %parallel_loop3A_347 = arith.subf %parallel_loop3A_346, %gather3A : vector<16xf32>
          %parallel_loop3A_348 = arith.index_cast %parallel_loop3A_344 : i32 to index
          %parallel_loop3A_349 = tpu.vector_load %arg5[%parallel_loop3A_348] {strides = array<i32>} : memref<16384xf32, #tpu.memory_space<vmem>>, vector<16xf32>,
          %parallel_loop3A_350 = arith.subf %parallel_loop3A_349, %gather3A_65 : vector<16xf32>
          %parallel_loop3A_351 = arith.index_cast %parallel_loop3A_344 : i32 to index
          %parallel_loop3A_352 = tpu.vector_load %arg6[%parallel_loop3A_351] {strides = array<i32>} : memref<16384xf32, #tpu.memory_space<vmem>>, vector<16xf32>,
          %parallel_loop3A_353 = arith.subf %parallel_loop3A_352, %gather3A_66 : vector<16xf32>
          %parallel_loop3A_354 = arith.mulf %parallel_loop3A_347, %parallel_loop3A_347 : vector<16xf32>
          %parallel_loop3A_355 = arith.mulf %parallel_loop3A_350, %parallel_loop3A_350 : vector<16xf32>
          %parallel_loop3A_356 = arith.mulf %parallel_loop3A_353, %parallel_loop3A_353 : vector<16xf32>
          %parallel_loop3A_357 = arith.addf %parallel_loop3A_355, %parallel_loop3A_356 : vector<16xf32>
          %parallel_loop3A_358 = arith.addf %parallel_loop3A_354, %parallel_loop3A_357 : vector<16xf32>
          %parallel_loop3A_359 = arith.index_cast %parallel_loop3A_342 : i32 to index
          %parallel_loop3A_360 = tpu.vector_load %arg7[%parallel_loop3A_359] {strides = array<i32>} : memref<4096xf32, #tpu.memory_space<vmem>>, vector<16xf32>,
          %parallel_loop3A_361 = arith.minimumf %parallel_loop3A_360, %parallel_loop3A_358 : vector<16xf32>
          %parallel_loop3A_362 = arith.index_cast %parallel_loop3A_342 : i32 to index
          %parallel_loop3A_363 = tpu.vector_load %arg7[%parallel_loop3A_362] {strides = array<i32>} : memref<4096xf32, #tpu.memory_space<vmem>>, vector<16xf32>,
          tpu.vector_store %arg7[%parallel_loop3A_362], %parallel_loop3A_361 {strides = array<i32>} : memref<4096xf32, #tpu.memory_space<vmem>>, vector<16xf32>,
          %parallel_loop3A_364 = arith.cmpf ogt, %parallel_loop3A_361, %parallel_loop3A_246 : vector<16xf32>
          %parallel_loop3A_365 = arith.select %parallel_loop3A_364, %parallel_loop3A_361, %parallel_loop3A_246 : vector<16xi1>, vector<16xf32>
          %parallel_loop3A_366 = vector.broadcast %parallel_loop3A_341 : i32 to vector<16xi32>
          %parallel_loop3A_367 = arith.select %parallel_loop3A_364, %parallel_loop3A_366, %parallel_loop3A_247 : vector<16xi1>, vector<16xi32>
          %parallel_loop3A_368 = arith.constant 64 : i32
          %parallel_loop3A_369 = arith.addi %parallel_loop3A_239, %parallel_loop3A_368 : i32
          %parallel_loop3A_370 = tpu.assume_multiple %parallel_loop3A_369, 16 : i32
          %parallel_loop3A_371 = arith.addi %mul3A_20, %parallel_loop3A_369 : i32
          %parallel_loop3A_372 = tpu.assume_multiple %parallel_loop3A_371, 16 : i32
          %parallel_loop3A_373 = arith.index_cast %parallel_loop3A_372 : i32 to index
          %parallel_loop3A_374 = tpu.vector_load %arg4[%parallel_loop3A_373] {strides = array<i32>} : memref<16384xf32, #tpu.memory_space<vmem>>, vector<16xf32>,
          %parallel_loop3A_375 = arith.subf %parallel_loop3A_374, %gather3A : vector<16xf32>
          %parallel_loop3A_376 = arith.index_cast %parallel_loop3A_372 : i32 to index
          %parallel_loop3A_377 = tpu.vector_load %arg5[%parallel_loop3A_376] {strides = array<i32>} : memref<16384xf32, #tpu.memory_space<vmem>>, vector<16xf32>,
          %parallel_loop3A_378 = arith.subf %parallel_loop3A_377, %gather3A_65 : vector<16xf32>
          %parallel_loop3A_379 = arith.index_cast %parallel_loop3A_372 : i32 to index
          %parallel_loop3A_380 = tpu.vector_load %arg6[%parallel_loop3A_379] {strides = array<i32>} : memref<16384xf32, #tpu.memory_space<vmem>>, vector<16xf32>,
          %parallel_loop3A_381 = arith.subf %parallel_loop3A_380, %gather3A_66 : vector<16xf32>
          %parallel_loop3A_382 = arith.mulf %parallel_loop3A_375, %parallel_loop3A_375 : vector<16xf32>
          %parallel_loop3A_383 = arith.mulf %parallel_loop3A_378, %parallel_loop3A_378 : vector<16xf32>
          %parallel_loop3A_384 = arith.mulf %parallel_loop3A_381, %parallel_loop3A_381 : vector<16xf32>
          %parallel_loop3A_385 = arith.addf %parallel_loop3A_383, %parallel_loop3A_384 : vector<16xf32>
          %parallel_loop3A_386 = arith.addf %parallel_loop3A_382, %parallel_loop3A_385 : vector<16xf32>
          %parallel_loop3A_387 = arith.index_cast %parallel_loop3A_370 : i32 to index
          %parallel_loop3A_388 = tpu.vector_load %arg7[%parallel_loop3A_387] {strides = array<i32>} : memref<4096xf32, #tpu.memory_space<vmem>>, vector<16xf32>,
          %parallel_loop3A_389 = arith.minimumf %parallel_loop3A_388, %parallel_loop3A_386 : vector<16xf32>
          %parallel_loop3A_390 = arith.index_cast %parallel_loop3A_370 : i32 to index
          %parallel_loop3A_391 = tpu.vector_load %arg7[%parallel_loop3A_390] {strides = array<i32>} : memref<4096xf32, #tpu.memory_space<vmem>>, vector<16xf32>,
          tpu.vector_store %arg7[%parallel_loop3A_390], %parallel_loop3A_389 {strides = array<i32>} : memref<4096xf32, #tpu.memory_space<vmem>>, vector<16xf32>,
          %parallel_loop3A_392 = arith.cmpf ogt, %parallel_loop3A_389, %parallel_loop3A_248 : vector<16xf32>
          %parallel_loop3A_393 = arith.select %parallel_loop3A_392, %parallel_loop3A_389, %parallel_loop3A_248 : vector<16xi1>, vector<16xf32>
          %parallel_loop3A_394 = vector.broadcast %parallel_loop3A_369 : i32 to vector<16xi32>
          %parallel_loop3A_395 = arith.select %parallel_loop3A_392, %parallel_loop3A_394, %parallel_loop3A_249 : vector<16xi1>, vector<16xi32>
          %parallel_loop3A_396 = arith.constant 80 : i32
          %parallel_loop3A_397 = arith.addi %parallel_loop3A_239, %parallel_loop3A_396 : i32
          %parallel_loop3A_398 = tpu.assume_multiple %parallel_loop3A_397, 16 : i32
          %parallel_loop3A_399 = arith.addi %mul3A_20, %parallel_loop3A_397 : i32
          %parallel_loop3A_400 = tpu.assume_multiple %parallel_loop3A_399, 16 : i32
          %parallel_loop3A_401 = arith.index_cast %parallel_loop3A_400 : i32 to index
          %parallel_loop3A_402 = tpu.vector_load %arg4[%parallel_loop3A_401] {strides = array<i32>} : memref<16384xf32, #tpu.memory_space<vmem>>, vector<16xf32>,
          %parallel_loop3A_403 = arith.subf %parallel_loop3A_402, %gather3A : vector<16xf32>
          %parallel_loop3A_404 = arith.index_cast %parallel_loop3A_400 : i32 to index
          %parallel_loop3A_405 = tpu.vector_load %arg5[%parallel_loop3A_404] {strides = array<i32>} : memref<16384xf32, #tpu.memory_space<vmem>>, vector<16xf32>,
          %parallel_loop3A_406 = arith.subf %parallel_loop3A_405, %gather3A_65 : vector<16xf32>
          %parallel_loop3A_407 = arith.index_cast %parallel_loop3A_400 : i32 to index
          %parallel_loop3A_408 = tpu.vector_load %arg6[%parallel_loop3A_407] {strides = array<i32>} : memref<16384xf32, #tpu.memory_space<vmem>>, vector<16xf32>,
          %parallel_loop3A_409 = arith.subf %parallel_loop3A_408, %gather3A_66 : vector<16xf32>
          %parallel_loop3A_410 = arith.mulf %parallel_loop3A_403, %parallel_loop3A_403 : vector<16xf32>
          %parallel_loop3A_411 = arith.mulf %parallel_loop3A_406, %parallel_loop3A_406 : vector<16xf32>
          %parallel_loop3A_412 = arith.mulf %parallel_loop3A_409, %parallel_loop3A_409 : vector<16xf32>
          %parallel_loop3A_413 = arith.addf %parallel_loop3A_411, %parallel_loop3A_412 : vector<16xf32>
          %parallel_loop3A_414 = arith.addf %parallel_loop3A_410, %parallel_loop3A_413 : vector<16xf32>
          %parallel_loop3A_415 = arith.index_cast %parallel_loop3A_398 : i32 to index
          %parallel_loop3A_416 = tpu.vector_load %arg7[%parallel_loop3A_415] {strides = array<i32>} : memref<4096xf32, #tpu.memory_space<vmem>>, vector<16xf32>,
          %parallel_loop3A_417 = arith.minimumf %parallel_loop3A_416, %parallel_loop3A_414 : vector<16xf32>
          %parallel_loop3A_418 = arith.index_cast %parallel_loop3A_398 : i32 to index
          %parallel_loop3A_419 = tpu.vector_load %arg7[%parallel_loop3A_418] {strides = array<i32>} : memref<4096xf32, #tpu.memory_space<vmem>>, vector<16xf32>,
          tpu.vector_store %arg7[%parallel_loop3A_418], %parallel_loop3A_417 {strides = array<i32>} : memref<4096xf32, #tpu.memory_space<vmem>>, vector<16xf32>,
          %parallel_loop3A_420 = arith.cmpf ogt, %parallel_loop3A_417, %parallel_loop3A_250 : vector<16xf32>
          %parallel_loop3A_421 = arith.select %parallel_loop3A_420, %parallel_loop3A_417, %parallel_loop3A_250 : vector<16xi1>, vector<16xf32>
          %parallel_loop3A_422 = vector.broadcast %parallel_loop3A_397 : i32 to vector<16xi32>
          %parallel_loop3A_423 = arith.select %parallel_loop3A_420, %parallel_loop3A_422, %parallel_loop3A_251 : vector<16xi1>, vector<16xi32>
          %parallel_loop3A_424 = arith.constant 96 : i32
          %parallel_loop3A_425 = arith.addi %parallel_loop3A_239, %parallel_loop3A_424 : i32
          %parallel_loop3A_426 = tpu.assume_multiple %parallel_loop3A_425, 16 : i32
          %parallel_loop3A_427 = arith.addi %mul3A_20, %parallel_loop3A_425 : i32
          %parallel_loop3A_428 = tpu.assume_multiple %parallel_loop3A_427, 16 : i32
          %parallel_loop3A_429 = arith.index_cast %parallel_loop3A_428 : i32 to index
          %parallel_loop3A_430 = tpu.vector_load %arg4[%parallel_loop3A_429] {strides = array<i32>} : memref<16384xf32, #tpu.memory_space<vmem>>, vector<16xf32>,
          %parallel_loop3A_431 = arith.subf %parallel_loop3A_430, %gather3A : vector<16xf32>
          %parallel_loop3A_432 = arith.index_cast %parallel_loop3A_428 : i32 to index
          %parallel_loop3A_433 = tpu.vector_load %arg5[%parallel_loop3A_432] {strides = array<i32>} : memref<16384xf32, #tpu.memory_space<vmem>>, vector<16xf32>,
          %parallel_loop3A_434 = arith.subf %parallel_loop3A_433, %gather3A_65 : vector<16xf32>
          %parallel_loop3A_435 = arith.index_cast %parallel_loop3A_428 : i32 to index
          %parallel_loop3A_436 = tpu.vector_load %arg6[%parallel_loop3A_435] {strides = array<i32>} : memref<16384xf32, #tpu.memory_space<vmem>>, vector<16xf32>,
          %parallel_loop3A_437 = arith.subf %parallel_loop3A_436, %gather3A_66 : vector<16xf32>
          %parallel_loop3A_438 = arith.mulf %parallel_loop3A_431, %parallel_loop3A_431 : vector<16xf32>
          %parallel_loop3A_439 = arith.mulf %parallel_loop3A_434, %parallel_loop3A_434 : vector<16xf32>
          %parallel_loop3A_440 = arith.mulf %parallel_loop3A_437, %parallel_loop3A_437 : vector<16xf32>
          %parallel_loop3A_441 = arith.addf %parallel_loop3A_439, %parallel_loop3A_440 : vector<16xf32>
          %parallel_loop3A_442 = arith.addf %parallel_loop3A_438, %parallel_loop3A_441 : vector<16xf32>
          %parallel_loop3A_443 = arith.index_cast %parallel_loop3A_426 : i32 to index
          %parallel_loop3A_444 = tpu.vector_load %arg7[%parallel_loop3A_443] {strides = array<i32>} : memref<4096xf32, #tpu.memory_space<vmem>>, vector<16xf32>,
          %parallel_loop3A_445 = arith.minimumf %parallel_loop3A_444, %parallel_loop3A_442 : vector<16xf32>
          %parallel_loop3A_446 = arith.index_cast %parallel_loop3A_426 : i32 to index
          %parallel_loop3A_447 = tpu.vector_load %arg7[%parallel_loop3A_446] {strides = array<i32>} : memref<4096xf32, #tpu.memory_space<vmem>>, vector<16xf32>,
          tpu.vector_store %arg7[%parallel_loop3A_446], %parallel_loop3A_445 {strides = array<i32>} : memref<4096xf32, #tpu.memory_space<vmem>>, vector<16xf32>,
          %parallel_loop3A_448 = arith.cmpf ogt, %parallel_loop3A_445, %parallel_loop3A_252 : vector<16xf32>
          %parallel_loop3A_449 = arith.select %parallel_loop3A_448, %parallel_loop3A_445, %parallel_loop3A_252 : vector<16xi1>, vector<16xf32>
          %parallel_loop3A_450 = vector.broadcast %parallel_loop3A_425 : i32 to vector<16xi32>
          %parallel_loop3A_451 = arith.select %parallel_loop3A_448, %parallel_loop3A_450, %parallel_loop3A_253 : vector<16xi1>, vector<16xi32>
          %parallel_loop3A_452 = arith.constant 112 : i32
          %parallel_loop3A_453 = arith.addi %parallel_loop3A_239, %parallel_loop3A_452 : i32
          %parallel_loop3A_454 = tpu.assume_multiple %parallel_loop3A_453, 16 : i32
          %parallel_loop3A_455 = arith.addi %mul3A_20, %parallel_loop3A_453 : i32
          %parallel_loop3A_456 = tpu.assume_multiple %parallel_loop3A_455, 16 : i32
          %parallel_loop3A_457 = arith.index_cast %parallel_loop3A_456 : i32 to index
          %parallel_loop3A_458 = tpu.vector_load %arg4[%parallel_loop3A_457] {strides = array<i32>} : memref<16384xf32, #tpu.memory_space<vmem>>, vector<16xf32>,
          %parallel_loop3A_459 = arith.subf %parallel_loop3A_458, %gather3A : vector<16xf32>
          %parallel_loop3A_460 = arith.index_cast %parallel_loop3A_456 : i32 to index
          %parallel_loop3A_461 = tpu.vector_load %arg5[%parallel_loop3A_460] {strides = array<i32>} : memref<16384xf32, #tpu.memory_space<vmem>>, vector<16xf32>,
          %parallel_loop3A_462 = arith.subf %parallel_loop3A_461, %gather3A_65 : vector<16xf32>
          %parallel_loop3A_463 = arith.index_cast %parallel_loop3A_456 : i32 to index
          %parallel_loop3A_464 = tpu.vector_load %arg6[%parallel_loop3A_463] {strides = array<i32>} : memref<16384xf32, #tpu.memory_space<vmem>>, vector<16xf32>,
          %parallel_loop3A_465 = arith.subf %parallel_loop3A_464, %gather3A_66 : vector<16xf32>
          %parallel_loop3A_466 = arith.mulf %parallel_loop3A_459, %parallel_loop3A_459 : vector<16xf32>
          %parallel_loop3A_467 = arith.mulf %parallel_loop3A_462, %parallel_loop3A_462 : vector<16xf32>
          %parallel_loop3A_468 = arith.mulf %parallel_loop3A_465, %parallel_loop3A_465 : vector<16xf32>
          %parallel_loop3A_469 = arith.addf %parallel_loop3A_467, %parallel_loop3A_468 : vector<16xf32>
          %parallel_loop3A_470 = arith.addf %parallel_loop3A_466, %parallel_loop3A_469 : vector<16xf32>
          %parallel_loop3A_471 = arith.index_cast %parallel_loop3A_454 : i32 to index
          %parallel_loop3A_472 = tpu.vector_load %arg7[%parallel_loop3A_471] {strides = array<i32>} : memref<4096xf32, #tpu.memory_space<vmem>>, vector<16xf32>,
          %parallel_loop3A_473 = arith.minimumf %parallel_loop3A_472, %parallel_loop3A_470 : vector<16xf32>
          %parallel_loop3A_474 = arith.index_cast %parallel_loop3A_454 : i32 to index
          %parallel_loop3A_475 = tpu.vector_load %arg7[%parallel_loop3A_474] {strides = array<i32>} : memref<4096xf32, #tpu.memory_space<vmem>>, vector<16xf32>,
          tpu.vector_store %arg7[%parallel_loop3A_474], %parallel_loop3A_473 {strides = array<i32>} : memref<4096xf32, #tpu.memory_space<vmem>>, vector<16xf32>,
          %parallel_loop3A_476 = arith.cmpf ogt, %parallel_loop3A_473, %parallel_loop3A_254 : vector<16xf32>
          %parallel_loop3A_477 = arith.select %parallel_loop3A_476, %parallel_loop3A_473, %parallel_loop3A_254 : vector<16xi1>, vector<16xf32>
          %parallel_loop3A_478 = vector.broadcast %parallel_loop3A_453 : i32 to vector<16xi32>
          %parallel_loop3A_479 = arith.select %parallel_loop3A_476, %parallel_loop3A_478, %parallel_loop3A_255 : vector<16xi1>, vector<16xi32>
          scf.yield %parallel_loop3A_281, %parallel_loop3A_283, %parallel_loop3A_309, %parallel_loop3A_311, %parallel_loop3A_337, %parallel_loop3A_339, %parallel_loop3A_365, %parallel_loop3A_367, %parallel_loop3A_393, %parallel_loop3A_395, %parallel_loop3A_421, %parallel_loop3A_423, %parallel_loop3A_449, %parallel_loop3A_451, %parallel_loop3A_477, %parallel_loop3A_479 : vector<16xf32>, vector<16xi32>, vector<16xf32>, vector<16xi32>, vector<16xf32>, vector<16xi32>, vector<16xf32>, vector<16xi32>, vector<16xf32>, vector<16xi32>, vector<16xf32>, vector<16xi32>, vector<16xf32>, vector<16xi32>, vector<16xf32>, vector<16xi32>
        } {sc.loop_unroll_factor = 1 : i64, sc.parallel_access}
        %gt3A = arith.cmpf ogt, %parallel_loop3A_102#2, %parallel_loop3A_102#0 : vector<16xf32>
        %eq3A_103 = arith.cmpf oeq, %parallel_loop3A_102#2, %parallel_loop3A_102#0 : vector<16xf32>
        %lt3A = arith.cmpi slt, %parallel_loop3A_102#3, %parallel_loop3A_102#1 : vector<16xi32>
        %and3A_104 = arith.andi %eq3A_103, %lt3A : vector<16xi1>
        %or3A = arith.ori %gt3A, %and3A_104 : vector<16xi1>
        %select_n3A_105 = arith.select %or3A, %parallel_loop3A_102#2, %parallel_loop3A_102#0 : vector<16xi1>, vector<16xf32>
        %select_n3A_106 = arith.select %or3A, %parallel_loop3A_102#3, %parallel_loop3A_102#1 : vector<16xi1>, vector<16xi32>
        %gt3A_107 = arith.cmpf ogt, %parallel_loop3A_102#6, %parallel_loop3A_102#4 : vector<16xf32>
        %eq3A_108 = arith.cmpf oeq, %parallel_loop3A_102#6, %parallel_loop3A_102#4 : vector<16xf32>
        %lt3A_109 = arith.cmpi slt, %parallel_loop3A_102#7, %parallel_loop3A_102#5 : vector<16xi32>
        %and3A_110 = arith.andi %eq3A_108, %lt3A_109 : vector<16xi1>
        %or3A_111 = arith.ori %gt3A_107, %and3A_110 : vector<16xi1>
        %select_n3A_112 = arith.select %or3A_111, %parallel_loop3A_102#6, %parallel_loop3A_102#4 : vector<16xi1>, vector<16xf32>
        %select_n3A_113 = arith.select %or3A_111, %parallel_loop3A_102#7, %parallel_loop3A_102#5 : vector<16xi1>, vector<16xi32>
        %gt3A_114 = arith.cmpf ogt, %parallel_loop3A_102#10, %parallel_loop3A_102#8 : vector<16xf32>
        %eq3A_115 = arith.cmpf oeq, %parallel_loop3A_102#10, %parallel_loop3A_102#8 : vector<16xf32>
        %lt3A_116 = arith.cmpi slt, %parallel_loop3A_102#11, %parallel_loop3A_102#9 : vector<16xi32>
        %and3A_117 = arith.andi %eq3A_115, %lt3A_116 : vector<16xi1>
        %or3A_118 = arith.ori %gt3A_114, %and3A_117 : vector<16xi1>
        %select_n3A_119 = arith.select %or3A_118, %parallel_loop3A_102#10, %parallel_loop3A_102#8 : vector<16xi1>, vector<16xf32>
        %select_n3A_120 = arith.select %or3A_118, %parallel_loop3A_102#11, %parallel_loop3A_102#9 : vector<16xi1>, vector<16xi32>
        %gt3A_121 = arith.cmpf ogt, %parallel_loop3A_102#14, %parallel_loop3A_102#12 : vector<16xf32>
        %eq3A_122 = arith.cmpf oeq, %parallel_loop3A_102#14, %parallel_loop3A_102#12 : vector<16xf32>
        %lt3A_123 = arith.cmpi slt, %parallel_loop3A_102#15, %parallel_loop3A_102#13 : vector<16xi32>
        %and3A_124 = arith.andi %eq3A_122, %lt3A_123 : vector<16xi1>
        %or3A_125 = arith.ori %gt3A_121, %and3A_124 : vector<16xi1>
        %select_n3A_126 = arith.select %or3A_125, %parallel_loop3A_102#14, %parallel_loop3A_102#12 : vector<16xi1>, vector<16xf32>
        %select_n3A_127 = arith.select %or3A_125, %parallel_loop3A_102#15, %parallel_loop3A_102#13 : vector<16xi1>, vector<16xi32>
        %gt3A_128 = arith.cmpf ogt, %select_n3A_112, %select_n3A_105 : vector<16xf32>
        %eq3A_129 = arith.cmpf oeq, %select_n3A_112, %select_n3A_105 : vector<16xf32>
        %lt3A_130 = arith.cmpi slt, %select_n3A_113, %select_n3A_106 : vector<16xi32>
        %and3A_131 = arith.andi %eq3A_129, %lt3A_130 : vector<16xi1>
        %or3A_132 = arith.ori %gt3A_128, %and3A_131 : vector<16xi1>
        %select_n3A_133 = arith.select %or3A_132, %select_n3A_112, %select_n3A_105 : vector<16xi1>, vector<16xf32>
        %select_n3A_134 = arith.select %or3A_132, %select_n3A_113, %select_n3A_106 : vector<16xi1>, vector<16xi32>
        %gt3A_135 = arith.cmpf ogt, %select_n3A_126, %select_n3A_119 : vector<16xf32>
        %eq3A_136 = arith.cmpf oeq, %select_n3A_126, %select_n3A_119 : vector<16xf32>
        %lt3A_137 = arith.cmpi slt, %select_n3A_127, %select_n3A_120 : vector<16xi32>
        %and3A_138 = arith.andi %eq3A_136, %lt3A_137 : vector<16xi1>
        %or3A_139 = arith.ori %gt3A_135, %and3A_138 : vector<16xi1>
        %select_n3A_140 = arith.select %or3A_139, %select_n3A_126, %select_n3A_119 : vector<16xi1>, vector<16xf32>
        %select_n3A_141 = arith.select %or3A_139, %select_n3A_127, %select_n3A_120 : vector<16xi1>, vector<16xi32>
        %gt3A_142 = arith.cmpf ogt, %select_n3A_140, %select_n3A_133 : vector<16xf32>
        %eq3A_143 = arith.cmpf oeq, %select_n3A_140, %select_n3A_133 : vector<16xf32>
        %lt3A_144 = arith.cmpi slt, %select_n3A_141, %select_n3A_134 : vector<16xi32>
        %and3A_145 = arith.andi %eq3A_143, %lt3A_144 : vector<16xi1>
        %or3A_146 = arith.ori %gt3A_142, %and3A_145 : vector<16xi1>
        %select_n3A_147 = arith.select %or3A_146, %select_n3A_140, %select_n3A_133 : vector<16xi1>, vector<16xf32>
        %select_n3A_148 = arith.select %or3A_146, %select_n3A_141, %select_n3A_134 : vector<16xi1>, vector<16xi32>
        %broadcast_in_dim3A_149 = vector.broadcast %mul3A_20 : i32 to vector<16xi32>
        %add3A_150 = arith.addi %broadcast_in_dim3A_149, %select_n3A_148 : vector<16xi32>
        %add3A_151 = arith.addi %add3A_150, %iota3A : vector<16xi32>
        %reduce_max3A = arith.constant true
        %reduce_max3A_152 = vector.broadcast %reduce_max3A : i1 to vector<16xi1>
        %reduce_max3A_153 = tpu.scan <max>, %select_n3A_147 masked %reduce_max3A_152 : vector<16xf32>, vector<16xi1> -> vector<16xf32>
        %reduce_max3A_154 = vector.extract %reduce_max3A_153[15] : f32 from vector<16xf32>
        %eq3A_155 = vector.broadcast %reduce_max3A_154 : f32 to vector<16xf32>
        %eq3A_156 = arith.cmpf oeq, %select_n3A_147, %eq3A_155 : vector<16xf32>
        %jit3A_157 = arith.constant 16384 : i32
        %broadcast_in_dim3A_158 = vector.broadcast %jit3A_157 : i32 to vector<16xi32>
        %select_n3A_159 = arith.select %eq3A_156, %add3A_151, %broadcast_in_dim3A_158 : vector<16xi1>, vector<16xi32>
        %reduce_min3A = arith.constant true
        %reduce_min3A_160 = vector.broadcast %reduce_min3A : i1 to vector<16xi1>
        %reduce_min3A_161 = arith.constant -2147483648 : i32
        %reduce_min3A_162 = vector.broadcast %reduce_min3A_161 : i32 to vector<16xi32>
        %reduce_min3A_163 = arith.xori %select_n3A_159, %reduce_min3A_162 : vector<16xi32>
        %reduce_min3A_164 = tpu.scan <min>, %reduce_min3A_163 masked %reduce_min3A_160 : vector<16xi32>, vector<16xi1> -> vector<16xi32>
        %reduce_min3A_165 = arith.xori %reduce_min3A_164, %reduce_min3A_162 : vector<16xi32>
        %reduce_min3A_166 = vector.extract %reduce_min3A_165[15] : i32 from vector<16xi32>
        %broadcast_in_dim3A_167 = vector.broadcast %reduce_max3A_154 : f32 to vector<16xf32>
        %eq3A_168 = arith.constant 0 : i32
        %eq3A_169 = vector.broadcast %eq3A_168 : i32 to vector<16xi32>
        %eq3A_170 = arith.cmpi eq, %iota3A, %eq3A_169 : vector<16xi32>
        %bitcast3A = vector.bitcast %broadcast_in_dim3A_167 : vector<16xf32> to vector<16xi32>
        %broadcast_in_dim3A_171 = vector.broadcast %reduce_min3A_166 : i32 to vector<16xi32>
        %select_n3A_172 = arith.select %eq3A_170, %bitcast3A, %broadcast_in_dim3A_171 : vector<16xi1>, vector<16xi32>
        %swap3A_173 = arith.constant 0 : index
        %swap3A_174 = tpu.vector_load %arg9[%swap3A_173] {strides = array<i32>} : memref<16xi32, #tpu.memory_space<vmem>>, vector<16xi32>,
        tpu.vector_store %arg9[%swap3A_173], %select_n3A_172 {strides = array<i32>} : memref<16xi32, #tpu.memory_space<vmem>>, vector<16xi32>,
        %mul3A_175 = arith.constant 16 : i32
        %mul3A_176 = arith.muli %arg1, %mul3A_175 : i32
        %multiple_of3A_177 = tpu.assume_multiple %mul3A_176, 16 : i32
        "tpu.region"() ({
          %run_scoped3A = tpu.sem_alloc : memref<!tpu.dma_semaphore, #tpu.memory_space<semaphore_mem>>
          %dma_start3A = tpu.memref_slice %arg11[%multiple_of3A_177] : memref<256xi32, #tpu.memory_space<vmem_shared>> -> memref<16xi32, #tpu.memory_space<vmem_shared>>
          %dma_start3A_239 = tpu.memref_slice %arg11[%multiple_of3A_177] : memref<256xi32, #tpu.memory_space<vmem_shared>> -> memref<16xi32, #tpu.memory_space<vmem_shared>>
          tpu.enqueue_dma source(%arg9 : memref<16xi32, #tpu.memory_space<vmem>>) target(%dma_start3A_239 : memref<16xi32, #tpu.memory_space<vmem_shared>>) target_semaphore(%run_scoped3A : memref<!tpu.dma_semaphore, #tpu.memory_space<semaphore_mem>>)
          %dma_wait3A = tpu.memref_slice %arg11[%multiple_of3A_177] : memref<256xi32, #tpu.memory_space<vmem_shared>> -> memref<16xi32, #tpu.memory_space<vmem_shared>>
          %dma_wait3A_240 = tpu.memref_slice %arg11[%multiple_of3A_177] : memref<256xi32, #tpu.memory_space<vmem_shared>> -> memref<16xi32, #tpu.memory_space<vmem_shared>>
          tpu.wait_dma2 semaphore(%run_scoped3A : memref<!tpu.dma_semaphore, #tpu.memory_space<semaphore_mem>>) src(%arg9 : memref<16xi32, #tpu.memory_space<vmem>>) dst(%dma_wait3A_240 : memref<16xi32, #tpu.memory_space<vmem_shared>>)
          tpu.yield
        }) : () -> ()
        %barrier3A = arith.constant 0 : index
        tpu.barrier barrier_id(%barrier3A)
        %mul3A_178 = arith.constant 64 : i32
        %mul3A_179 = arith.muli %select_n3A, %mul3A_178 : i32
        %multiple_of3A_180 = tpu.assume_multiple %mul3A_179, 64 : i32
        "tpu.region"() ({
          %run_scoped3A = tpu.sem_alloc : memref<!tpu.dma_semaphore, #tpu.memory_space<semaphore_mem>>
          %dma_start3A = tpu.memref_slice %arg11[%multiple_of3A_180] : memref<256xi32, #tpu.memory_space<vmem_shared>> -> memref<64xi32, #tpu.memory_space<vmem_shared>>
          %dma_start3A_239 = tpu.memref_slice %arg11[%multiple_of3A_180] : memref<256xi32, #tpu.memory_space<vmem_shared>> -> memref<64xi32, #tpu.memory_space<vmem_shared>>
          tpu.enqueue_dma source(%dma_start3A_239 : memref<64xi32, #tpu.memory_space<vmem_shared>>) target(%arg10 : memref<64xi32, #tpu.memory_space<vmem>>) target_semaphore(%run_scoped3A : memref<!tpu.dma_semaphore, #tpu.memory_space<semaphore_mem>>)
          %dma_wait3A = tpu.memref_slice %arg11[%multiple_of3A_180] : memref<256xi32, #tpu.memory_space<vmem_shared>> -> memref<64xi32, #tpu.memory_space<vmem_shared>>
          %dma_wait3A_240 = tpu.memref_slice %arg11[%multiple_of3A_180] : memref<256xi32, #tpu.memory_space<vmem_shared>> -> memref<64xi32, #tpu.memory_space<vmem_shared>>
          tpu.wait_dma2 semaphore(%run_scoped3A : memref<!tpu.dma_semaphore, #tpu.memory_space<semaphore_mem>>) src(%dma_wait3A_240 : memref<64xi32, #tpu.memory_space<vmem_shared>>) dst(%arg10 : memref<64xi32, #tpu.memory_space<vmem>>)
          tpu.yield
        }) : () -> ()
        %get3A = arith.constant 0 : index
        %get3A_181 = tpu.vector_load %arg10[%get3A] {strides = array<i32>} : memref<64xi32, #tpu.memory_space<vmem>>, vector<16xi32>,
        %bitcast3A_182 = vector.bitcast %get3A_181 : vector<16xi32> to vector<16xf32>
        %slice3A = vector.extract_strided_slice %bitcast3A_182 {offsets = [0], sizes = [1], strides = [1]} : vector<16xf32> to vector<1xf32>
        %squeeze3A = vector.extract %slice3A[0] : f32 from vector<1xf32>
        %slice3A_183 = vector.extract_strided_slice %get3A_181 {offsets = [1], sizes = [1], strides = [1]} : vector<16xi32> to vector<1xi32>
        %squeeze3A_184 = vector.extract %slice3A_183[0] : i32 from vector<1xi32>
        %gt3A_185 = arith.constant -1.000000e+00 : f32
        %gt3A_186 = arith.cmpf ogt, %squeeze3A, %gt3A_185 : f32
        %eq3A_187 = arith.constant -1.000000e+00 : f32
        %eq3A_188 = arith.cmpf oeq, %squeeze3A, %eq3A_187 : f32
        %lt3A_189 = arith.constant 0 : i32
        %lt3A_190 = arith.cmpi slt, %squeeze3A_184, %lt3A_189 : i32
        %and3A_191 = arith.andi %eq3A_188, %lt3A_190 : i1
        %or3A_192 = arith.ori %gt3A_186, %and3A_191 : i1
        %jit3A_193 = arith.constant -1.000000e+00 : f32
        %select_n3A_194 = arith.select %or3A_192, %squeeze3A, %jit3A_193 : f32
        %jit3A_195 = arith.constant 0 : i32
        %select_n3A_196 = arith.select %or3A_192, %squeeze3A_184, %jit3A_195 : i32
        %get3A_197 = arith.constant 16 : index
        %get3A_198 = tpu.vector_load %arg10[%get3A_197] {strides = array<i32>} : memref<64xi32, #tpu.memory_space<vmem>>, vector<16xi32>,
        %bitcast3A_199 = vector.bitcast %get3A_198 : vector<16xi32> to vector<16xf32>
        %slice3A_200 = vector.extract_strided_slice %bitcast3A_199 {offsets = [0], sizes = [1], strides = [1]} : vector<16xf32> to vector<1xf32>
        %squeeze3A_201 = vector.extract %slice3A_200[0] : f32 from vector<1xf32>
        %slice3A_202 = vector.extract_strided_slice %get3A_198 {offsets = [1], sizes = [1], strides = [1]} : vector<16xi32> to vector<1xi32>
        %squeeze3A_203 = vector.extract %slice3A_202[0] : i32 from vector<1xi32>
        %gt3A_204 = arith.cmpf ogt, %squeeze3A_201, %select_n3A_194 : f32
        %eq3A_205 = arith.cmpf oeq, %squeeze3A_201, %select_n3A_194 : f32
        %lt3A_206 = arith.cmpi slt, %squeeze3A_203, %select_n3A_196 : i32
        %and3A_207 = arith.andi %eq3A_205, %lt3A_206 : i1
        %or3A_208 = arith.ori %gt3A_204, %and3A_207 : i1
        %select_n3A_209 = arith.select %or3A_208, %squeeze3A_201, %select_n3A_194 : f32
        %select_n3A_210 = arith.select %or3A_208, %squeeze3A_203, %select_n3A_196 : i32
        %get3A_211 = arith.constant 32 : index
        %get3A_212 = tpu.vector_load %arg10[%get3A_211] {strides = array<i32>} : memref<64xi32, #tpu.memory_space<vmem>>, vector<16xi32>,
        %bitcast3A_213 = vector.bitcast %get3A_212 : vector<16xi32> to vector<16xf32>
        %slice3A_214 = vector.extract_strided_slice %bitcast3A_213 {offsets = [0], sizes = [1], strides = [1]} : vector<16xf32> to vector<1xf32>
        %squeeze3A_215 = vector.extract %slice3A_214[0] : f32 from vector<1xf32>
        %slice3A_216 = vector.extract_strided_slice %get3A_212 {offsets = [1], sizes = [1], strides = [1]} : vector<16xi32> to vector<1xi32>
        %squeeze3A_217 = vector.extract %slice3A_216[0] : i32 from vector<1xi32>
        %gt3A_218 = arith.cmpf ogt, %squeeze3A_215, %select_n3A_209 : f32
        %eq3A_219 = arith.cmpf oeq, %squeeze3A_215, %select_n3A_209 : f32
        %lt3A_220 = arith.cmpi slt, %squeeze3A_217, %select_n3A_210 : i32
        %and3A_221 = arith.andi %eq3A_219, %lt3A_220 : i1
        %or3A_222 = arith.ori %gt3A_218, %and3A_221 : i1
        %select_n3A_223 = arith.select %or3A_222, %squeeze3A_215, %select_n3A_209 : f32
        %select_n3A_224 = arith.select %or3A_222, %squeeze3A_217, %select_n3A_210 : i32
        %get3A_225 = arith.constant 48 : index
        %get3A_226 = tpu.vector_load %arg10[%get3A_225] {strides = array<i32>} : memref<64xi32, #tpu.memory_space<vmem>>, vector<16xi32>,
        %bitcast3A_227 = vector.bitcast %get3A_226 : vector<16xi32> to vector<16xf32>
        %slice3A_228 = vector.extract_strided_slice %bitcast3A_227 {offsets = [0], sizes = [1], strides = [1]} : vector<16xf32> to vector<1xf32>
        %squeeze3A_229 = vector.extract %slice3A_228[0] : f32 from vector<1xf32>
        %slice3A_230 = vector.extract_strided_slice %get3A_226 {offsets = [1], sizes = [1], strides = [1]} : vector<16xi32> to vector<1xi32>
        %squeeze3A_231 = vector.extract %slice3A_230[0] : i32 from vector<1xi32>
        %gt3A_232 = arith.cmpf ogt, %squeeze3A_229, %select_n3A_223 : f32
        %eq3A_233 = arith.cmpf oeq, %squeeze3A_229, %select_n3A_223 : f32
        %lt3A_234 = arith.cmpi slt, %squeeze3A_231, %select_n3A_224 : i32
        %and3A_235 = arith.andi %eq3A_233, %lt3A_234 : i1
        %or3A_236 = arith.ori %gt3A_232, %and3A_235 : i1
        %select_n3A_237 = arith.select %or3A_236, %squeeze3A_229, %select_n3A_223 : f32
        %select_n3A_238 = arith.select %or3A_236, %squeeze3A_231, %select_n3A_224 : i32
        scf.yield %select_n3A_238, %select_n3A_64 : i32, vector<16xi32>
      }
      %scan3A_53 = arith.constant 16 : i32
      %mul3A_54 = arith.constant 16 : i32
      %mul3A_55 = arith.muli %scan3A_45, %mul3A_54 : i32
      %multiple_of3A_56 = tpu.assume_multiple %mul3A_55, 16 : i32
      %swap3A = arith.index_cast %multiple_of3A_56 : i32 to index
      %swap3A_57 = tpu.vector_load %arg8[%swap3A] {strides = array<i32>} : memref<512xi32, #tpu.memory_space<vmem>>, vector<16xi32>,
      tpu.vector_store %arg8[%swap3A], %scan3A_52#1 {strides = array<i32>} : memref<512xi32, #tpu.memory_space<vmem>>, vector<16xi32>,
      scf.yield %scan3A_52#0 : i32
    }
    %scan3A_42 = arith.constant 32 : i32
    %eq3A = arith.constant 0 : i32
    %eq3A_43 = arith.cmpi eq, %rem3A_17, %eq3A : i32
    %convert_element_type3A = arith.extui %eq3A_43 : i1 to i32
    %cond3A = arith.constant 0 : i32
    %cond3A_44 = arith.cmpi ne, %convert_element_type3A, %cond3A : i32
    scf.if %cond3A_44 {
      %mul3A_45 = arith.constant 512 : i32
      %mul3A_46 = arith.muli %add3A, %mul3A_45 : i32
      %multiple_of3A_47 = tpu.assume_multiple %mul3A_46, 512 : i32
      "tpu.region"() ({
        %run_scoped3A = tpu.sem_alloc : memref<!tpu.dma_semaphore, #tpu.memory_space<semaphore_mem>>
        %dma_start3A = tpu.memref_slice %arg3[%multiple_of3A_47] : memref<4096xi32, #tpu.memory_space<hbm>> -> memref<512xi32, #tpu.memory_space<hbm>>
        %dma_start3A_48 = tpu.memref_slice %arg3[%multiple_of3A_47] : memref<4096xi32, #tpu.memory_space<hbm>> -> memref<512xi32, #tpu.memory_space<hbm>>
        tpu.enqueue_dma source(%arg8 : memref<512xi32, #tpu.memory_space<vmem>>) target(%dma_start3A_48 : memref<512xi32, #tpu.memory_space<hbm>>) target_semaphore(%run_scoped3A : memref<!tpu.dma_semaphore, #tpu.memory_space<semaphore_mem>>)
        %dma_wait3A = tpu.memref_slice %arg3[%multiple_of3A_47] : memref<4096xi32, #tpu.memory_space<hbm>> -> memref<512xi32, #tpu.memory_space<hbm>>
        %dma_wait3A_49 = tpu.memref_slice %arg3[%multiple_of3A_47] : memref<4096xi32, #tpu.memory_space<hbm>> -> memref<512xi32, #tpu.memory_space<hbm>>
        tpu.wait_dma2 semaphore(%run_scoped3A : memref<!tpu.dma_semaphore, #tpu.memory_space<semaphore_mem>>) src(%arg8 : memref<512xi32, #tpu.memory_space<vmem>>) dst(%dma_wait3A_49 : memref<512xi32, #tpu.memory_space<hbm>>)
        tpu.yield
      }) : () -> ()
    } else {
    }
    return
  }
}

module attributes {stable_mosaic.version = 14 : i64} {
  func.func @_fps_tc_body(%arg0: memref<8x16384xf32, #tpu.memory_space<vmem>>, %arg1: memref<8x16384xf32, #tpu.memory_space<vmem>>, %arg2: memref<8x16384xf32, #tpu.memory_space<vmem>>, %arg3: memref<8x512xi32, #tpu.memory_space<vmem>>, %arg4: memref<8x16384xf32, #tpu.memory_space<vmem>>) attributes {dimension_semantics = [], scalar_prefetch = 0 : i64, scratch_operands = 1 : i64, tpu.core_type = #tpu.core_type<tc>} {
    %iota3A = tpu.iota {dimensions = array<i32: 1>} : vector<8x128xi32>
    %scan3A = arith.constant 0 : i32
    %scan3A_0 = arith.constant 128 : i32
    %scan3A_1 = arith.addi %scan3A, %scan3A_0 : i32
    %scan3A_2 = arith.constant 1 : i32
    scf.for %scan3A_19 = %scan3A to %scan3A_1 step %scan3A_2  : i32 {
      %broadcast_in_dim3A_20 = arith.constant 1.000000e+10 : f32
      %broadcast_in_dim3A_21 = vector.broadcast %broadcast_in_dim3A_20 : f32 to vector<8x128xf32>
      %mul3A = arith.constant 128 : i32
      %mul3A_22 = arith.muli %scan3A_19, %mul3A : i32
      %multiple_of3A = tpu.assume_multiple %mul3A_22, 128 : i32
      %swap3A = arith.constant 0 : index
      %swap3A_23 = arith.index_cast %multiple_of3A : i32 to index
      %swap3A_24 = vector.load %arg4[%swap3A, %swap3A_23] : memref<8x16384xf32, #tpu.memory_space<vmem>>, vector<8x128xf32>
      tpu.vector_store %arg4[%swap3A, %swap3A_23], %broadcast_in_dim3A_21 {strides = array<i32>} : memref<8x16384xf32, #tpu.memory_space<vmem>>, vector<8x128xf32>,
    }
    %scan3A_3 = arith.constant 128 : i32
    %broadcast_in_dim3A = arith.constant 0 : i32
    %broadcast_in_dim3A_4 = vector.broadcast %broadcast_in_dim3A : i32 to vector<8x1xi32>
    %get3A = arith.constant 0 : index
    %get3A_5 = arith.constant 0 : index
    %get3A_6 = vector.load %arg0[%get3A, %get3A_5] : memref<8x16384xf32, #tpu.memory_space<vmem>>, vector<8x1xf32>
    %get3A_7 = arith.constant 0 : index
    %get3A_8 = arith.constant 0 : index
    %get3A_9 = vector.load %arg1[%get3A_7, %get3A_8] : memref<8x16384xf32, #tpu.memory_space<vmem>>, vector<8x1xf32>
    %get3A_10 = arith.constant 0 : index
    %get3A_11 = arith.constant 0 : index
    %get3A_12 = vector.load %arg2[%get3A_10, %get3A_11] : memref<8x16384xf32, #tpu.memory_space<vmem>>, vector<8x1xf32>
    %scan3A_13 = arith.constant 0 : i32
    %scan3A_14 = arith.constant 4 : i32
    %scan3A_15 = arith.addi %scan3A_13, %scan3A_14 : i32
    %scan3A_16 = arith.constant 1 : i32
    %scan3A_17:4 = scf.for %scan3A_19 = %scan3A_13 to %scan3A_15 step %scan3A_16 iter_args(%scan3A_20 = %broadcast_in_dim3A_4, %scan3A_21 = %get3A_6, %scan3A_22 = %get3A_9, %scan3A_23 = %get3A_12) -> (vector<8x1xi32>, vector<8x1xf32>, vector<8x1xf32>, vector<8x1xf32>)  : i32 {
      %broadcast_in_dim3A_24 = arith.constant 0 : i32
      %broadcast_in_dim3A_25 = vector.broadcast %broadcast_in_dim3A_24 : i32 to vector<8x128xi32>
      %scan3A_26 = arith.constant 0 : i32
      %scan3A_27 = arith.constant 128 : i32
      %scan3A_28 = arith.addi %scan3A_26, %scan3A_27 : i32
      %scan3A_29 = arith.constant 1 : i32
      %scan3A_30:5 = scf.for %scan3A_35 = %scan3A_26 to %scan3A_28 step %scan3A_29 iter_args(%scan3A_36 = %scan3A_20, %scan3A_37 = %scan3A_21, %scan3A_38 = %scan3A_22, %scan3A_39 = %scan3A_23, %scan3A_40 = %broadcast_in_dim3A_25) -> (vector<8x1xi32>, vector<8x1xf32>, vector<8x1xf32>, vector<8x1xf32>, vector<8x128xi32>)  : i32 {
        %eq3A = vector.broadcast %scan3A_35 : i32 to vector<8x128xi32>
        %eq3A_41 = arith.cmpi eq, %iota3A, %eq3A : vector<8x128xi32>
        %broadcast_in_dim3A_42 = vector.shape_cast %scan3A_36 : vector<8x1xi32> to vector<8x1xi32>
        %broadcast_in_dim3A_43 = vector.broadcast %broadcast_in_dim3A_42 : vector<8x1xi32> to vector<8x128xi32>
        %select_n3A = arith.select %eq3A_41, %broadcast_in_dim3A_43, %scan3A_40 : vector<8x128xi1>, vector<8x128xi32>
        %broadcast_in_dim3A_44 = arith.constant 0.000000e+00 : f32
        %broadcast_in_dim3A_45 = vector.broadcast %broadcast_in_dim3A_44 : f32 to vector<8x128xf32>
        %add3A = vector.broadcast %scan3A_37 : vector<8x1xf32> to vector<8x128xf32>
        %add3A_46 = arith.addf %add3A, %broadcast_in_dim3A_45 : vector<8x128xf32>
        %add3A_47 = vector.broadcast %scan3A_38 : vector<8x1xf32> to vector<8x128xf32>
        %add3A_48 = arith.addf %add3A_47, %broadcast_in_dim3A_45 : vector<8x128xf32>
        %add3A_49 = vector.broadcast %scan3A_39 : vector<8x1xf32> to vector<8x128xf32>
        %add3A_50 = arith.addf %add3A_49, %broadcast_in_dim3A_45 : vector<8x128xf32>
        %broadcast_in_dim3A_51 = arith.constant 0 : i32
        %broadcast_in_dim3A_52 = vector.broadcast %broadcast_in_dim3A_51 : i32 to vector<8x128xi32>
        %broadcast_in_dim3A_53 = arith.constant -1.000000e+00 : f32
        %broadcast_in_dim3A_54 = vector.broadcast %broadcast_in_dim3A_53 : f32 to vector<8x128xf32>
        %broadcast_in_dim3A_55 = arith.constant -1.000000e+00 : f32
        %broadcast_in_dim3A_56 = vector.broadcast %broadcast_in_dim3A_55 : f32 to vector<8x128xf32>
        %broadcast_in_dim3A_57 = arith.constant -1.000000e+00 : f32
        %broadcast_in_dim3A_58 = vector.broadcast %broadcast_in_dim3A_57 : f32 to vector<8x128xf32>
        %broadcast_in_dim3A_59 = arith.constant -1.000000e+00 : f32
        %broadcast_in_dim3A_60 = vector.broadcast %broadcast_in_dim3A_59 : f32 to vector<8x128xf32>
        %broadcast_in_dim3A_61 = arith.constant -1.000000e+00 : f32
        %broadcast_in_dim3A_62 = vector.broadcast %broadcast_in_dim3A_61 : f32 to vector<8x128xf32>
        %broadcast_in_dim3A_63 = arith.constant -1.000000e+00 : f32
        %broadcast_in_dim3A_64 = vector.broadcast %broadcast_in_dim3A_63 : f32 to vector<8x128xf32>
        %broadcast_in_dim3A_65 = arith.constant -1.000000e+00 : f32
        %broadcast_in_dim3A_66 = vector.broadcast %broadcast_in_dim3A_65 : f32 to vector<8x128xf32>
        %broadcast_in_dim3A_67 = arith.constant -1.000000e+00 : f32
        %broadcast_in_dim3A_68 = vector.broadcast %broadcast_in_dim3A_67 : f32 to vector<8x128xf32>
        %scan3A_69 = arith.constant 0 : i32
        %scan3A_70 = arith.constant 16 : i32
        %scan3A_71 = arith.addi %scan3A_69, %scan3A_70 : i32
        %scan3A_72 = arith.constant 1 : i32
        %scan3A_73:40 = scf.for %scan3A_169 = %scan3A_69 to %scan3A_71 step %scan3A_72 iter_args(%scan3A_170 = %broadcast_in_dim3A_54, %scan3A_171 = %broadcast_in_dim3A_52, %scan3A_172 = %broadcast_in_dim3A_45, %scan3A_173 = %broadcast_in_dim3A_45, %scan3A_174 = %broadcast_in_dim3A_45, %scan3A_175 = %broadcast_in_dim3A_56, %scan3A_176 = %broadcast_in_dim3A_52, %scan3A_177 = %broadcast_in_dim3A_45, %scan3A_178 = %broadcast_in_dim3A_45, %scan3A_179 = %broadcast_in_dim3A_45, %scan3A_180 = %broadcast_in_dim3A_58, %scan3A_181 = %broadcast_in_dim3A_52, %scan3A_182 = %broadcast_in_dim3A_45, %scan3A_183 = %broadcast_in_dim3A_45, %scan3A_184 = %broadcast_in_dim3A_45, %scan3A_185 = %broadcast_in_dim3A_60, %scan3A_186 = %broadcast_in_dim3A_52, %scan3A_187 = %broadcast_in_dim3A_45, %scan3A_188 = %broadcast_in_dim3A_45, %scan3A_189 = %broadcast_in_dim3A_45, %scan3A_190 = %broadcast_in_dim3A_62, %scan3A_191 = %broadcast_in_dim3A_52, %scan3A_192 = %broadcast_in_dim3A_45, %scan3A_193 = %broadcast_in_dim3A_45, %scan3A_194 = %broadcast_in_dim3A_45, %scan3A_195 = %broadcast_in_dim3A_64, %scan3A_196 = %broadcast_in_dim3A_52, %scan3A_197 = %broadcast_in_dim3A_45, %scan3A_198 = %broadcast_in_dim3A_45, %scan3A_199 = %broadcast_in_dim3A_45, %scan3A_200 = %broadcast_in_dim3A_66, %scan3A_201 = %broadcast_in_dim3A_52, %scan3A_202 = %broadcast_in_dim3A_45, %scan3A_203 = %broadcast_in_dim3A_45, %scan3A_204 = %broadcast_in_dim3A_45, %scan3A_205 = %broadcast_in_dim3A_68, %scan3A_206 = %broadcast_in_dim3A_52, %scan3A_207 = %broadcast_in_dim3A_45, %scan3A_208 = %broadcast_in_dim3A_45, %scan3A_209 = %broadcast_in_dim3A_45) -> (vector<8x128xf32>, vector<8x128xi32>, vector<8x128xf32>, vector<8x128xf32>, vector<8x128xf32>, vector<8x128xf32>, vector<8x128xi32>, vector<8x128xf32>, vector<8x128xf32>, vector<8x128xf32>, vector<8x128xf32>, vector<8x128xi32>, vector<8x128xf32>, vector<8x128xf32>, vector<8x128xf32>, vector<8x128xf32>, vector<8x128xi32>, vector<8x128xf32>, vector<8x128xf32>, vector<8x128xf32>, vector<8x128xf32>, vector<8x128xi32>, vector<8x128xf32>, vector<8x128xf32>, vector<8x128xf32>, vector<8x128xf32>, vector<8x128xi32>, vector<8x128xf32>, vector<8x128xf32>, vector<8x128xf32>, vector<8x128xf32>, vector<8x128xi32>, vector<8x128xf32>, vector<8x128xf32>, vector<8x128xf32>, vector<8x128xf32>, vector<8x128xi32>, vector<8x128xf32>, vector<8x128xf32>, vector<8x128xf32>)  : i32 {
          %mul3A_210 = arith.constant 1024 : i32
          %mul3A_211 = arith.muli %scan3A_169, %mul3A_210 : i32
          %add3A_212 = arith.constant 0 : i32
          %add3A_213 = arith.addi %mul3A_211, %add3A_212 : i32
          %multiple_of3A_214 = tpu.assume_multiple %add3A_213, 128 : i32
          %get3A_215 = arith.constant 0 : index
          %get3A_216 = arith.index_cast %multiple_of3A_214 : i32 to index
          %get3A_217 = vector.load %arg0[%get3A_215, %get3A_216] : memref<8x16384xf32, #tpu.memory_space<vmem>>, vector<8x128xf32>
          %get3A_218 = arith.constant 0 : index
          %get3A_219 = arith.index_cast %multiple_of3A_214 : i32 to index
          %get3A_220 = vector.load %arg1[%get3A_218, %get3A_219] : memref<8x16384xf32, #tpu.memory_space<vmem>>, vector<8x128xf32>
          %get3A_221 = arith.constant 0 : index
          %get3A_222 = arith.index_cast %multiple_of3A_214 : i32 to index
          %get3A_223 = vector.load %arg2[%get3A_221, %get3A_222] : memref<8x16384xf32, #tpu.memory_space<vmem>>, vector<8x128xf32>
          %sub3A = arith.subf %get3A_217, %add3A_46 : vector<8x128xf32>
          %sub3A_224 = arith.subf %get3A_220, %add3A_48 : vector<8x128xf32>
          %sub3A_225 = arith.subf %get3A_223, %add3A_50 : vector<8x128xf32>
          %mul3A_226 = arith.mulf %sub3A, %sub3A : vector<8x128xf32>
          %mul3A_227 = arith.mulf %sub3A_224, %sub3A_224 : vector<8x128xf32>
          %mul3A_228 = arith.mulf %sub3A_225, %sub3A_225 : vector<8x128xf32>
          %add3A_229 = arith.addf %mul3A_227, %mul3A_228 : vector<8x128xf32>
          %add3A_230 = arith.addf %mul3A_226, %add3A_229 : vector<8x128xf32>
          %get3A_231 = arith.constant 0 : index
          %get3A_232 = arith.index_cast %multiple_of3A_214 : i32 to index
          %get3A_233 = vector.load %arg4[%get3A_231, %get3A_232] : memref<8x16384xf32, #tpu.memory_space<vmem>>, vector<8x128xf32>
          %min3A = arith.minimumf %get3A_233, %add3A_230 : vector<8x128xf32>
          %swap3A_234 = arith.constant 0 : index
          %swap3A_235 = arith.index_cast %multiple_of3A_214 : i32 to index
          %swap3A_236 = vector.load %arg4[%swap3A_234, %swap3A_235] : memref<8x16384xf32, #tpu.memory_space<vmem>>, vector<8x128xf32>
          tpu.vector_store %arg4[%swap3A_234, %swap3A_235], %min3A {strides = array<i32>} : memref<8x16384xf32, #tpu.memory_space<vmem>>, vector<8x128xf32>,
          %gt3A_237 = arith.cmpf ogt, %min3A, %scan3A_170 : vector<8x128xf32>
          %select_n3A_238 = arith.select %gt3A_237, %min3A, %scan3A_170 : vector<8x128xi1>, vector<8x128xf32>
          %broadcast_in_dim3A_239 = vector.broadcast %add3A_213 : i32 to vector<8x128xi32>
          %select_n3A_240 = arith.select %gt3A_237, %broadcast_in_dim3A_239, %scan3A_171 : vector<8x128xi1>, vector<8x128xi32>
          %select_n3A_241 = arith.select %gt3A_237, %get3A_217, %scan3A_172 : vector<8x128xi1>, vector<8x128xf32>
          %select_n3A_242 = arith.select %gt3A_237, %get3A_220, %scan3A_173 : vector<8x128xi1>, vector<8x128xf32>
          %select_n3A_243 = arith.select %gt3A_237, %get3A_223, %scan3A_174 : vector<8x128xi1>, vector<8x128xf32>
          %mul3A_244 = arith.constant 1024 : i32
          %mul3A_245 = arith.muli %scan3A_169, %mul3A_244 : i32
          %add3A_246 = arith.constant 128 : i32
          %add3A_247 = arith.addi %mul3A_245, %add3A_246 : i32
          %multiple_of3A_248 = tpu.assume_multiple %add3A_247, 128 : i32
          %get3A_249 = arith.constant 0 : index
          %get3A_250 = arith.index_cast %multiple_of3A_248 : i32 to index
          %get3A_251 = vector.load %arg0[%get3A_249, %get3A_250] : memref<8x16384xf32, #tpu.memory_space<vmem>>, vector<8x128xf32>
          %get3A_252 = arith.constant 0 : index
          %get3A_253 = arith.index_cast %multiple_of3A_248 : i32 to index
          %get3A_254 = vector.load %arg1[%get3A_252, %get3A_253] : memref<8x16384xf32, #tpu.memory_space<vmem>>, vector<8x128xf32>
          %get3A_255 = arith.constant 0 : index
          %get3A_256 = arith.index_cast %multiple_of3A_248 : i32 to index
          %get3A_257 = vector.load %arg2[%get3A_255, %get3A_256] : memref<8x16384xf32, #tpu.memory_space<vmem>>, vector<8x128xf32>
          %sub3A_258 = arith.subf %get3A_251, %add3A_46 : vector<8x128xf32>
          %sub3A_259 = arith.subf %get3A_254, %add3A_48 : vector<8x128xf32>
          %sub3A_260 = arith.subf %get3A_257, %add3A_50 : vector<8x128xf32>
          %mul3A_261 = arith.mulf %sub3A_258, %sub3A_258 : vector<8x128xf32>
          %mul3A_262 = arith.mulf %sub3A_259, %sub3A_259 : vector<8x128xf32>
          %mul3A_263 = arith.mulf %sub3A_260, %sub3A_260 : vector<8x128xf32>
          %add3A_264 = arith.addf %mul3A_262, %mul3A_263 : vector<8x128xf32>
          %add3A_265 = arith.addf %mul3A_261, %add3A_264 : vector<8x128xf32>
          %get3A_266 = arith.constant 0 : index
          %get3A_267 = arith.index_cast %multiple_of3A_248 : i32 to index
          %get3A_268 = vector.load %arg4[%get3A_266, %get3A_267] : memref<8x16384xf32, #tpu.memory_space<vmem>>, vector<8x128xf32>
          %min3A_269 = arith.minimumf %get3A_268, %add3A_265 : vector<8x128xf32>
          %swap3A_270 = arith.constant 0 : index
          %swap3A_271 = arith.index_cast %multiple_of3A_248 : i32 to index
          %swap3A_272 = vector.load %arg4[%swap3A_270, %swap3A_271] : memref<8x16384xf32, #tpu.memory_space<vmem>>, vector<8x128xf32>
          tpu.vector_store %arg4[%swap3A_270, %swap3A_271], %min3A_269 {strides = array<i32>} : memref<8x16384xf32, #tpu.memory_space<vmem>>, vector<8x128xf32>,
          %gt3A_273 = arith.cmpf ogt, %min3A_269, %scan3A_175 : vector<8x128xf32>
          %select_n3A_274 = arith.select %gt3A_273, %min3A_269, %scan3A_175 : vector<8x128xi1>, vector<8x128xf32>
          %broadcast_in_dim3A_275 = vector.broadcast %add3A_247 : i32 to vector<8x128xi32>
          %select_n3A_276 = arith.select %gt3A_273, %broadcast_in_dim3A_275, %scan3A_176 : vector<8x128xi1>, vector<8x128xi32>
          %select_n3A_277 = arith.select %gt3A_273, %get3A_251, %scan3A_177 : vector<8x128xi1>, vector<8x128xf32>
          %select_n3A_278 = arith.select %gt3A_273, %get3A_254, %scan3A_178 : vector<8x128xi1>, vector<8x128xf32>
          %select_n3A_279 = arith.select %gt3A_273, %get3A_257, %scan3A_179 : vector<8x128xi1>, vector<8x128xf32>
          %mul3A_280 = arith.constant 1024 : i32
          %mul3A_281 = arith.muli %scan3A_169, %mul3A_280 : i32
          %add3A_282 = arith.constant 256 : i32
          %add3A_283 = arith.addi %mul3A_281, %add3A_282 : i32
          %multiple_of3A_284 = tpu.assume_multiple %add3A_283, 128 : i32
          %get3A_285 = arith.constant 0 : index
          %get3A_286 = arith.index_cast %multiple_of3A_284 : i32 to index
          %get3A_287 = vector.load %arg0[%get3A_285, %get3A_286] : memref<8x16384xf32, #tpu.memory_space<vmem>>, vector<8x128xf32>
          %get3A_288 = arith.constant 0 : index
          %get3A_289 = arith.index_cast %multiple_of3A_284 : i32 to index
          %get3A_290 = vector.load %arg1[%get3A_288, %get3A_289] : memref<8x16384xf32, #tpu.memory_space<vmem>>, vector<8x128xf32>
          %get3A_291 = arith.constant 0 : index
          %get3A_292 = arith.index_cast %multiple_of3A_284 : i32 to index
          %get3A_293 = vector.load %arg2[%get3A_291, %get3A_292] : memref<8x16384xf32, #tpu.memory_space<vmem>>, vector<8x128xf32>
          %sub3A_294 = arith.subf %get3A_287, %add3A_46 : vector<8x128xf32>
          %sub3A_295 = arith.subf %get3A_290, %add3A_48 : vector<8x128xf32>
          %sub3A_296 = arith.subf %get3A_293, %add3A_50 : vector<8x128xf32>
          %mul3A_297 = arith.mulf %sub3A_294, %sub3A_294 : vector<8x128xf32>
          %mul3A_298 = arith.mulf %sub3A_295, %sub3A_295 : vector<8x128xf32>
          %mul3A_299 = arith.mulf %sub3A_296, %sub3A_296 : vector<8x128xf32>
          %add3A_300 = arith.addf %mul3A_298, %mul3A_299 : vector<8x128xf32>
          %add3A_301 = arith.addf %mul3A_297, %add3A_300 : vector<8x128xf32>
          %get3A_302 = arith.constant 0 : index
          %get3A_303 = arith.index_cast %multiple_of3A_284 : i32 to index
          %get3A_304 = vector.load %arg4[%get3A_302, %get3A_303] : memref<8x16384xf32, #tpu.memory_space<vmem>>, vector<8x128xf32>
          %min3A_305 = arith.minimumf %get3A_304, %add3A_301 : vector<8x128xf32>
          %swap3A_306 = arith.constant 0 : index
          %swap3A_307 = arith.index_cast %multiple_of3A_284 : i32 to index
          %swap3A_308 = vector.load %arg4[%swap3A_306, %swap3A_307] : memref<8x16384xf32, #tpu.memory_space<vmem>>, vector<8x128xf32>
          tpu.vector_store %arg4[%swap3A_306, %swap3A_307], %min3A_305 {strides = array<i32>} : memref<8x16384xf32, #tpu.memory_space<vmem>>, vector<8x128xf32>,
          %gt3A_309 = arith.cmpf ogt, %min3A_305, %scan3A_180 : vector<8x128xf32>
          %select_n3A_310 = arith.select %gt3A_309, %min3A_305, %scan3A_180 : vector<8x128xi1>, vector<8x128xf32>
          %broadcast_in_dim3A_311 = vector.broadcast %add3A_283 : i32 to vector<8x128xi32>
          %select_n3A_312 = arith.select %gt3A_309, %broadcast_in_dim3A_311, %scan3A_181 : vector<8x128xi1>, vector<8x128xi32>
          %select_n3A_313 = arith.select %gt3A_309, %get3A_287, %scan3A_182 : vector<8x128xi1>, vector<8x128xf32>
          %select_n3A_314 = arith.select %gt3A_309, %get3A_290, %scan3A_183 : vector<8x128xi1>, vector<8x128xf32>
          %select_n3A_315 = arith.select %gt3A_309, %get3A_293, %scan3A_184 : vector<8x128xi1>, vector<8x128xf32>
          %mul3A_316 = arith.constant 1024 : i32
          %mul3A_317 = arith.muli %scan3A_169, %mul3A_316 : i32
          %add3A_318 = arith.constant 384 : i32
          %add3A_319 = arith.addi %mul3A_317, %add3A_318 : i32
          %multiple_of3A_320 = tpu.assume_multiple %add3A_319, 128 : i32
          %get3A_321 = arith.constant 0 : index
          %get3A_322 = arith.index_cast %multiple_of3A_320 : i32 to index
          %get3A_323 = vector.load %arg0[%get3A_321, %get3A_322] : memref<8x16384xf32, #tpu.memory_space<vmem>>, vector<8x128xf32>
          %get3A_324 = arith.constant 0 : index
          %get3A_325 = arith.index_cast %multiple_of3A_320 : i32 to index
          %get3A_326 = vector.load %arg1[%get3A_324, %get3A_325] : memref<8x16384xf32, #tpu.memory_space<vmem>>, vector<8x128xf32>
          %get3A_327 = arith.constant 0 : index
          %get3A_328 = arith.index_cast %multiple_of3A_320 : i32 to index
          %get3A_329 = vector.load %arg2[%get3A_327, %get3A_328] : memref<8x16384xf32, #tpu.memory_space<vmem>>, vector<8x128xf32>
          %sub3A_330 = arith.subf %get3A_323, %add3A_46 : vector<8x128xf32>
          %sub3A_331 = arith.subf %get3A_326, %add3A_48 : vector<8x128xf32>
          %sub3A_332 = arith.subf %get3A_329, %add3A_50 : vector<8x128xf32>
          %mul3A_333 = arith.mulf %sub3A_330, %sub3A_330 : vector<8x128xf32>
          %mul3A_334 = arith.mulf %sub3A_331, %sub3A_331 : vector<8x128xf32>
          %mul3A_335 = arith.mulf %sub3A_332, %sub3A_332 : vector<8x128xf32>
          %add3A_336 = arith.addf %mul3A_334, %mul3A_335 : vector<8x128xf32>
          %add3A_337 = arith.addf %mul3A_333, %add3A_336 : vector<8x128xf32>
          %get3A_338 = arith.constant 0 : index
          %get3A_339 = arith.index_cast %multiple_of3A_320 : i32 to index
          %get3A_340 = vector.load %arg4[%get3A_338, %get3A_339] : memref<8x16384xf32, #tpu.memory_space<vmem>>, vector<8x128xf32>
          %min3A_341 = arith.minimumf %get3A_340, %add3A_337 : vector<8x128xf32>
          %swap3A_342 = arith.constant 0 : index
          %swap3A_343 = arith.index_cast %multiple_of3A_320 : i32 to index
          %swap3A_344 = vector.load %arg4[%swap3A_342, %swap3A_343] : memref<8x16384xf32, #tpu.memory_space<vmem>>, vector<8x128xf32>
          tpu.vector_store %arg4[%swap3A_342, %swap3A_343], %min3A_341 {strides = array<i32>} : memref<8x16384xf32, #tpu.memory_space<vmem>>, vector<8x128xf32>,
          %gt3A_345 = arith.cmpf ogt, %min3A_341, %scan3A_185 : vector<8x128xf32>
          %select_n3A_346 = arith.select %gt3A_345, %min3A_341, %scan3A_185 : vector<8x128xi1>, vector<8x128xf32>
          %broadcast_in_dim3A_347 = vector.broadcast %add3A_319 : i32 to vector<8x128xi32>
          %select_n3A_348 = arith.select %gt3A_345, %broadcast_in_dim3A_347, %scan3A_186 : vector<8x128xi1>, vector<8x128xi32>
          %select_n3A_349 = arith.select %gt3A_345, %get3A_323, %scan3A_187 : vector<8x128xi1>, vector<8x128xf32>
          %select_n3A_350 = arith.select %gt3A_345, %get3A_326, %scan3A_188 : vector<8x128xi1>, vector<8x128xf32>
          %select_n3A_351 = arith.select %gt3A_345, %get3A_329, %scan3A_189 : vector<8x128xi1>, vector<8x128xf32>
          %mul3A_352 = arith.constant 1024 : i32
          %mul3A_353 = arith.muli %scan3A_169, %mul3A_352 : i32
          %add3A_354 = arith.constant 512 : i32
          %add3A_355 = arith.addi %mul3A_353, %add3A_354 : i32
          %multiple_of3A_356 = tpu.assume_multiple %add3A_355, 128 : i32
          %get3A_357 = arith.constant 0 : index
          %get3A_358 = arith.index_cast %multiple_of3A_356 : i32 to index
          %get3A_359 = vector.load %arg0[%get3A_357, %get3A_358] : memref<8x16384xf32, #tpu.memory_space<vmem>>, vector<8x128xf32>
          %get3A_360 = arith.constant 0 : index
          %get3A_361 = arith.index_cast %multiple_of3A_356 : i32 to index
          %get3A_362 = vector.load %arg1[%get3A_360, %get3A_361] : memref<8x16384xf32, #tpu.memory_space<vmem>>, vector<8x128xf32>
          %get3A_363 = arith.constant 0 : index
          %get3A_364 = arith.index_cast %multiple_of3A_356 : i32 to index
          %get3A_365 = vector.load %arg2[%get3A_363, %get3A_364] : memref<8x16384xf32, #tpu.memory_space<vmem>>, vector<8x128xf32>
          %sub3A_366 = arith.subf %get3A_359, %add3A_46 : vector<8x128xf32>
          %sub3A_367 = arith.subf %get3A_362, %add3A_48 : vector<8x128xf32>
          %sub3A_368 = arith.subf %get3A_365, %add3A_50 : vector<8x128xf32>
          %mul3A_369 = arith.mulf %sub3A_366, %sub3A_366 : vector<8x128xf32>
          %mul3A_370 = arith.mulf %sub3A_367, %sub3A_367 : vector<8x128xf32>
          %mul3A_371 = arith.mulf %sub3A_368, %sub3A_368 : vector<8x128xf32>
          %add3A_372 = arith.addf %mul3A_370, %mul3A_371 : vector<8x128xf32>
          %add3A_373 = arith.addf %mul3A_369, %add3A_372 : vector<8x128xf32>
          %get3A_374 = arith.constant 0 : index
          %get3A_375 = arith.index_cast %multiple_of3A_356 : i32 to index
          %get3A_376 = vector.load %arg4[%get3A_374, %get3A_375] : memref<8x16384xf32, #tpu.memory_space<vmem>>, vector<8x128xf32>
          %min3A_377 = arith.minimumf %get3A_376, %add3A_373 : vector<8x128xf32>
          %swap3A_378 = arith.constant 0 : index
          %swap3A_379 = arith.index_cast %multiple_of3A_356 : i32 to index
          %swap3A_380 = vector.load %arg4[%swap3A_378, %swap3A_379] : memref<8x16384xf32, #tpu.memory_space<vmem>>, vector<8x128xf32>
          tpu.vector_store %arg4[%swap3A_378, %swap3A_379], %min3A_377 {strides = array<i32>} : memref<8x16384xf32, #tpu.memory_space<vmem>>, vector<8x128xf32>,
          %gt3A_381 = arith.cmpf ogt, %min3A_377, %scan3A_190 : vector<8x128xf32>
          %select_n3A_382 = arith.select %gt3A_381, %min3A_377, %scan3A_190 : vector<8x128xi1>, vector<8x128xf32>
          %broadcast_in_dim3A_383 = vector.broadcast %add3A_355 : i32 to vector<8x128xi32>
          %select_n3A_384 = arith.select %gt3A_381, %broadcast_in_dim3A_383, %scan3A_191 : vector<8x128xi1>, vector<8x128xi32>
          %select_n3A_385 = arith.select %gt3A_381, %get3A_359, %scan3A_192 : vector<8x128xi1>, vector<8x128xf32>
          %select_n3A_386 = arith.select %gt3A_381, %get3A_362, %scan3A_193 : vector<8x128xi1>, vector<8x128xf32>
          %select_n3A_387 = arith.select %gt3A_381, %get3A_365, %scan3A_194 : vector<8x128xi1>, vector<8x128xf32>
          %mul3A_388 = arith.constant 1024 : i32
          %mul3A_389 = arith.muli %scan3A_169, %mul3A_388 : i32
          %add3A_390 = arith.constant 640 : i32
          %add3A_391 = arith.addi %mul3A_389, %add3A_390 : i32
          %multiple_of3A_392 = tpu.assume_multiple %add3A_391, 128 : i32
          %get3A_393 = arith.constant 0 : index
          %get3A_394 = arith.index_cast %multiple_of3A_392 : i32 to index
          %get3A_395 = vector.load %arg0[%get3A_393, %get3A_394] : memref<8x16384xf32, #tpu.memory_space<vmem>>, vector<8x128xf32>
          %get3A_396 = arith.constant 0 : index
          %get3A_397 = arith.index_cast %multiple_of3A_392 : i32 to index
          %get3A_398 = vector.load %arg1[%get3A_396, %get3A_397] : memref<8x16384xf32, #tpu.memory_space<vmem>>, vector<8x128xf32>
          %get3A_399 = arith.constant 0 : index
          %get3A_400 = arith.index_cast %multiple_of3A_392 : i32 to index
          %get3A_401 = vector.load %arg2[%get3A_399, %get3A_400] : memref<8x16384xf32, #tpu.memory_space<vmem>>, vector<8x128xf32>
          %sub3A_402 = arith.subf %get3A_395, %add3A_46 : vector<8x128xf32>
          %sub3A_403 = arith.subf %get3A_398, %add3A_48 : vector<8x128xf32>
          %sub3A_404 = arith.subf %get3A_401, %add3A_50 : vector<8x128xf32>
          %mul3A_405 = arith.mulf %sub3A_402, %sub3A_402 : vector<8x128xf32>
          %mul3A_406 = arith.mulf %sub3A_403, %sub3A_403 : vector<8x128xf32>
          %mul3A_407 = arith.mulf %sub3A_404, %sub3A_404 : vector<8x128xf32>
          %add3A_408 = arith.addf %mul3A_406, %mul3A_407 : vector<8x128xf32>
          %add3A_409 = arith.addf %mul3A_405, %add3A_408 : vector<8x128xf32>
          %get3A_410 = arith.constant 0 : index
          %get3A_411 = arith.index_cast %multiple_of3A_392 : i32 to index
          %get3A_412 = vector.load %arg4[%get3A_410, %get3A_411] : memref<8x16384xf32, #tpu.memory_space<vmem>>, vector<8x128xf32>
          %min3A_413 = arith.minimumf %get3A_412, %add3A_409 : vector<8x128xf32>
          %swap3A_414 = arith.constant 0 : index
          %swap3A_415 = arith.index_cast %multiple_of3A_392 : i32 to index
          %swap3A_416 = vector.load %arg4[%swap3A_414, %swap3A_415] : memref<8x16384xf32, #tpu.memory_space<vmem>>, vector<8x128xf32>
          tpu.vector_store %arg4[%swap3A_414, %swap3A_415], %min3A_413 {strides = array<i32>} : memref<8x16384xf32, #tpu.memory_space<vmem>>, vector<8x128xf32>,
          %gt3A_417 = arith.cmpf ogt, %min3A_413, %scan3A_195 : vector<8x128xf32>
          %select_n3A_418 = arith.select %gt3A_417, %min3A_413, %scan3A_195 : vector<8x128xi1>, vector<8x128xf32>
          %broadcast_in_dim3A_419 = vector.broadcast %add3A_391 : i32 to vector<8x128xi32>
          %select_n3A_420 = arith.select %gt3A_417, %broadcast_in_dim3A_419, %scan3A_196 : vector<8x128xi1>, vector<8x128xi32>
          %select_n3A_421 = arith.select %gt3A_417, %get3A_395, %scan3A_197 : vector<8x128xi1>, vector<8x128xf32>
          %select_n3A_422 = arith.select %gt3A_417, %get3A_398, %scan3A_198 : vector<8x128xi1>, vector<8x128xf32>
          %select_n3A_423 = arith.select %gt3A_417, %get3A_401, %scan3A_199 : vector<8x128xi1>, vector<8x128xf32>
          %mul3A_424 = arith.constant 1024 : i32
          %mul3A_425 = arith.muli %scan3A_169, %mul3A_424 : i32
          %add3A_426 = arith.constant 768 : i32
          %add3A_427 = arith.addi %mul3A_425, %add3A_426 : i32
          %multiple_of3A_428 = tpu.assume_multiple %add3A_427, 128 : i32
          %get3A_429 = arith.constant 0 : index
          %get3A_430 = arith.index_cast %multiple_of3A_428 : i32 to index
          %get3A_431 = vector.load %arg0[%get3A_429, %get3A_430] : memref<8x16384xf32, #tpu.memory_space<vmem>>, vector<8x128xf32>
          %get3A_432 = arith.constant 0 : index
          %get3A_433 = arith.index_cast %multiple_of3A_428 : i32 to index
          %get3A_434 = vector.load %arg1[%get3A_432, %get3A_433] : memref<8x16384xf32, #tpu.memory_space<vmem>>, vector<8x128xf32>
          %get3A_435 = arith.constant 0 : index
          %get3A_436 = arith.index_cast %multiple_of3A_428 : i32 to index
          %get3A_437 = vector.load %arg2[%get3A_435, %get3A_436] : memref<8x16384xf32, #tpu.memory_space<vmem>>, vector<8x128xf32>
          %sub3A_438 = arith.subf %get3A_431, %add3A_46 : vector<8x128xf32>
          %sub3A_439 = arith.subf %get3A_434, %add3A_48 : vector<8x128xf32>
          %sub3A_440 = arith.subf %get3A_437, %add3A_50 : vector<8x128xf32>
          %mul3A_441 = arith.mulf %sub3A_438, %sub3A_438 : vector<8x128xf32>
          %mul3A_442 = arith.mulf %sub3A_439, %sub3A_439 : vector<8x128xf32>
          %mul3A_443 = arith.mulf %sub3A_440, %sub3A_440 : vector<8x128xf32>
          %add3A_444 = arith.addf %mul3A_442, %mul3A_443 : vector<8x128xf32>
          %add3A_445 = arith.addf %mul3A_441, %add3A_444 : vector<8x128xf32>
          %get3A_446 = arith.constant 0 : index
          %get3A_447 = arith.index_cast %multiple_of3A_428 : i32 to index
          %get3A_448 = vector.load %arg4[%get3A_446, %get3A_447] : memref<8x16384xf32, #tpu.memory_space<vmem>>, vector<8x128xf32>
          %min3A_449 = arith.minimumf %get3A_448, %add3A_445 : vector<8x128xf32>
          %swap3A_450 = arith.constant 0 : index
          %swap3A_451 = arith.index_cast %multiple_of3A_428 : i32 to index
          %swap3A_452 = vector.load %arg4[%swap3A_450, %swap3A_451] : memref<8x16384xf32, #tpu.memory_space<vmem>>, vector<8x128xf32>
          tpu.vector_store %arg4[%swap3A_450, %swap3A_451], %min3A_449 {strides = array<i32>} : memref<8x16384xf32, #tpu.memory_space<vmem>>, vector<8x128xf32>,
          %gt3A_453 = arith.cmpf ogt, %min3A_449, %scan3A_200 : vector<8x128xf32>
          %select_n3A_454 = arith.select %gt3A_453, %min3A_449, %scan3A_200 : vector<8x128xi1>, vector<8x128xf32>
          %broadcast_in_dim3A_455 = vector.broadcast %add3A_427 : i32 to vector<8x128xi32>
          %select_n3A_456 = arith.select %gt3A_453, %broadcast_in_dim3A_455, %scan3A_201 : vector<8x128xi1>, vector<8x128xi32>
          %select_n3A_457 = arith.select %gt3A_453, %get3A_431, %scan3A_202 : vector<8x128xi1>, vector<8x128xf32>
          %select_n3A_458 = arith.select %gt3A_453, %get3A_434, %scan3A_203 : vector<8x128xi1>, vector<8x128xf32>
          %select_n3A_459 = arith.select %gt3A_453, %get3A_437, %scan3A_204 : vector<8x128xi1>, vector<8x128xf32>
          %mul3A_460 = arith.constant 1024 : i32
          %mul3A_461 = arith.muli %scan3A_169, %mul3A_460 : i32
          %add3A_462 = arith.constant 896 : i32
          %add3A_463 = arith.addi %mul3A_461, %add3A_462 : i32
          %multiple_of3A_464 = tpu.assume_multiple %add3A_463, 128 : i32
          %get3A_465 = arith.constant 0 : index
          %get3A_466 = arith.index_cast %multiple_of3A_464 : i32 to index
          %get3A_467 = vector.load %arg0[%get3A_465, %get3A_466] : memref<8x16384xf32, #tpu.memory_space<vmem>>, vector<8x128xf32>
          %get3A_468 = arith.constant 0 : index
          %get3A_469 = arith.index_cast %multiple_of3A_464 : i32 to index
          %get3A_470 = vector.load %arg1[%get3A_468, %get3A_469] : memref<8x16384xf32, #tpu.memory_space<vmem>>, vector<8x128xf32>
          %get3A_471 = arith.constant 0 : index
          %get3A_472 = arith.index_cast %multiple_of3A_464 : i32 to index
          %get3A_473 = vector.load %arg2[%get3A_471, %get3A_472] : memref<8x16384xf32, #tpu.memory_space<vmem>>, vector<8x128xf32>
          %sub3A_474 = arith.subf %get3A_467, %add3A_46 : vector<8x128xf32>
          %sub3A_475 = arith.subf %get3A_470, %add3A_48 : vector<8x128xf32>
          %sub3A_476 = arith.subf %get3A_473, %add3A_50 : vector<8x128xf32>
          %mul3A_477 = arith.mulf %sub3A_474, %sub3A_474 : vector<8x128xf32>
          %mul3A_478 = arith.mulf %sub3A_475, %sub3A_475 : vector<8x128xf32>
          %mul3A_479 = arith.mulf %sub3A_476, %sub3A_476 : vector<8x128xf32>
          %add3A_480 = arith.addf %mul3A_478, %mul3A_479 : vector<8x128xf32>
          %add3A_481 = arith.addf %mul3A_477, %add3A_480 : vector<8x128xf32>
          %get3A_482 = arith.constant 0 : index
          %get3A_483 = arith.index_cast %multiple_of3A_464 : i32 to index
          %get3A_484 = vector.load %arg4[%get3A_482, %get3A_483] : memref<8x16384xf32, #tpu.memory_space<vmem>>, vector<8x128xf32>
          %min3A_485 = arith.minimumf %get3A_484, %add3A_481 : vector<8x128xf32>
          %swap3A_486 = arith.constant 0 : index
          %swap3A_487 = arith.index_cast %multiple_of3A_464 : i32 to index
          %swap3A_488 = vector.load %arg4[%swap3A_486, %swap3A_487] : memref<8x16384xf32, #tpu.memory_space<vmem>>, vector<8x128xf32>
          tpu.vector_store %arg4[%swap3A_486, %swap3A_487], %min3A_485 {strides = array<i32>} : memref<8x16384xf32, #tpu.memory_space<vmem>>, vector<8x128xf32>,
          %gt3A_489 = arith.cmpf ogt, %min3A_485, %scan3A_205 : vector<8x128xf32>
          %select_n3A_490 = arith.select %gt3A_489, %min3A_485, %scan3A_205 : vector<8x128xi1>, vector<8x128xf32>
          %broadcast_in_dim3A_491 = vector.broadcast %add3A_463 : i32 to vector<8x128xi32>
          %select_n3A_492 = arith.select %gt3A_489, %broadcast_in_dim3A_491, %scan3A_206 : vector<8x128xi1>, vector<8x128xi32>
          %select_n3A_493 = arith.select %gt3A_489, %get3A_467, %scan3A_207 : vector<8x128xi1>, vector<8x128xf32>
          %select_n3A_494 = arith.select %gt3A_489, %get3A_470, %scan3A_208 : vector<8x128xi1>, vector<8x128xf32>
          %select_n3A_495 = arith.select %gt3A_489, %get3A_473, %scan3A_209 : vector<8x128xi1>, vector<8x128xf32>
          scf.yield %select_n3A_238, %select_n3A_240, %select_n3A_241, %select_n3A_242, %select_n3A_243, %select_n3A_274, %select_n3A_276, %select_n3A_277, %select_n3A_278, %select_n3A_279, %select_n3A_310, %select_n3A_312, %select_n3A_313, %select_n3A_314, %select_n3A_315, %select_n3A_346, %select_n3A_348, %select_n3A_349, %select_n3A_350, %select_n3A_351, %select_n3A_382, %select_n3A_384, %select_n3A_385, %select_n3A_386, %select_n3A_387, %select_n3A_418, %select_n3A_420, %select_n3A_421, %select_n3A_422, %select_n3A_423, %select_n3A_454, %select_n3A_456, %select_n3A_457, %select_n3A_458, %select_n3A_459, %select_n3A_490, %select_n3A_492, %select_n3A_493, %select_n3A_494, %select_n3A_495 : vector<8x128xf32>, vector<8x128xi32>, vector<8x128xf32>, vector<8x128xf32>, vector<8x128xf32>, vector<8x128xf32>, vector<8x128xi32>, vector<8x128xf32>, vector<8x128xf32>, vector<8x128xf32>, vector<8x128xf32>, vector<8x128xi32>, vector<8x128xf32>, vector<8x128xf32>, vector<8x128xf32>, vector<8x128xf32>, vector<8x128xi32>, vector<8x128xf32>, vector<8x128xf32>, vector<8x128xf32>, vector<8x128xf32>, vector<8x128xi32>, vector<8x128xf32>, vector<8x128xf32>, vector<8x128xf32>, vector<8x128xf32>, vector<8x128xi32>, vector<8x128xf32>, vector<8x128xf32>, vector<8x128xf32>, vector<8x128xf32>, vector<8x128xi32>, vector<8x128xf32>, vector<8x128xf32>, vector<8x128xf32>, vector<8x128xf32>, vector<8x128xi32>, vector<8x128xf32>, vector<8x128xf32>, vector<8x128xf32>
        }
        %scan3A_74 = arith.constant 16 : i32
        %gt3A = arith.cmpf ogt, %scan3A_73#5, %scan3A_73#0 : vector<8x128xf32>
        %eq3A_75 = arith.cmpf oeq, %scan3A_73#5, %scan3A_73#0 : vector<8x128xf32>
        %lt3A = arith.cmpi slt, %scan3A_73#6, %scan3A_73#1 : vector<8x128xi32>
        %and3A = arith.andi %eq3A_75, %lt3A : vector<8x128xi1>
        %or3A = arith.ori %gt3A, %and3A : vector<8x128xi1>
        %select_n3A_76 = arith.select %or3A, %scan3A_73#5, %scan3A_73#0 : vector<8x128xi1>, vector<8x128xf32>
        %select_n3A_77 = arith.select %or3A, %scan3A_73#6, %scan3A_73#1 : vector<8x128xi1>, vector<8x128xi32>
        %select_n3A_78 = arith.select %or3A, %scan3A_73#7, %scan3A_73#2 : vector<8x128xi1>, vector<8x128xf32>
        %select_n3A_79 = arith.select %or3A, %scan3A_73#8, %scan3A_73#3 : vector<8x128xi1>, vector<8x128xf32>
        %select_n3A_80 = arith.select %or3A, %scan3A_73#9, %scan3A_73#4 : vector<8x128xi1>, vector<8x128xf32>
        %gt3A_81 = arith.cmpf ogt, %scan3A_73#15, %scan3A_73#10 : vector<8x128xf32>
        %eq3A_82 = arith.cmpf oeq, %scan3A_73#15, %scan3A_73#10 : vector<8x128xf32>
        %lt3A_83 = arith.cmpi slt, %scan3A_73#16, %scan3A_73#11 : vector<8x128xi32>
        %and3A_84 = arith.andi %eq3A_82, %lt3A_83 : vector<8x128xi1>
        %or3A_85 = arith.ori %gt3A_81, %and3A_84 : vector<8x128xi1>
        %select_n3A_86 = arith.select %or3A_85, %scan3A_73#15, %scan3A_73#10 : vector<8x128xi1>, vector<8x128xf32>
        %select_n3A_87 = arith.select %or3A_85, %scan3A_73#16, %scan3A_73#11 : vector<8x128xi1>, vector<8x128xi32>
        %select_n3A_88 = arith.select %or3A_85, %scan3A_73#17, %scan3A_73#12 : vector<8x128xi1>, vector<8x128xf32>
        %select_n3A_89 = arith.select %or3A_85, %scan3A_73#18, %scan3A_73#13 : vector<8x128xi1>, vector<8x128xf32>
        %select_n3A_90 = arith.select %or3A_85, %scan3A_73#19, %scan3A_73#14 : vector<8x128xi1>, vector<8x128xf32>
        %gt3A_91 = arith.cmpf ogt, %scan3A_73#25, %scan3A_73#20 : vector<8x128xf32>
        %eq3A_92 = arith.cmpf oeq, %scan3A_73#25, %scan3A_73#20 : vector<8x128xf32>
        %lt3A_93 = arith.cmpi slt, %scan3A_73#26, %scan3A_73#21 : vector<8x128xi32>
        %and3A_94 = arith.andi %eq3A_92, %lt3A_93 : vector<8x128xi1>
        %or3A_95 = arith.ori %gt3A_91, %and3A_94 : vector<8x128xi1>
        %select_n3A_96 = arith.select %or3A_95, %scan3A_73#25, %scan3A_73#20 : vector<8x128xi1>, vector<8x128xf32>
        %select_n3A_97 = arith.select %or3A_95, %scan3A_73#26, %scan3A_73#21 : vector<8x128xi1>, vector<8x128xi32>
        %select_n3A_98 = arith.select %or3A_95, %scan3A_73#27, %scan3A_73#22 : vector<8x128xi1>, vector<8x128xf32>
        %select_n3A_99 = arith.select %or3A_95, %scan3A_73#28, %scan3A_73#23 : vector<8x128xi1>, vector<8x128xf32>
        %select_n3A_100 = arith.select %or3A_95, %scan3A_73#29, %scan3A_73#24 : vector<8x128xi1>, vector<8x128xf32>
        %gt3A_101 = arith.cmpf ogt, %scan3A_73#35, %scan3A_73#30 : vector<8x128xf32>
        %eq3A_102 = arith.cmpf oeq, %scan3A_73#35, %scan3A_73#30 : vector<8x128xf32>
        %lt3A_103 = arith.cmpi slt, %scan3A_73#36, %scan3A_73#31 : vector<8x128xi32>
        %and3A_104 = arith.andi %eq3A_102, %lt3A_103 : vector<8x128xi1>
        %or3A_105 = arith.ori %gt3A_101, %and3A_104 : vector<8x128xi1>
        %select_n3A_106 = arith.select %or3A_105, %scan3A_73#35, %scan3A_73#30 : vector<8x128xi1>, vector<8x128xf32>
        %select_n3A_107 = arith.select %or3A_105, %scan3A_73#36, %scan3A_73#31 : vector<8x128xi1>, vector<8x128xi32>
        %select_n3A_108 = arith.select %or3A_105, %scan3A_73#37, %scan3A_73#32 : vector<8x128xi1>, vector<8x128xf32>
        %select_n3A_109 = arith.select %or3A_105, %scan3A_73#38, %scan3A_73#33 : vector<8x128xi1>, vector<8x128xf32>
        %select_n3A_110 = arith.select %or3A_105, %scan3A_73#39, %scan3A_73#34 : vector<8x128xi1>, vector<8x128xf32>
        %gt3A_111 = arith.cmpf ogt, %select_n3A_86, %select_n3A_76 : vector<8x128xf32>
        %eq3A_112 = arith.cmpf oeq, %select_n3A_86, %select_n3A_76 : vector<8x128xf32>
        %lt3A_113 = arith.cmpi slt, %select_n3A_87, %select_n3A_77 : vector<8x128xi32>
        %and3A_114 = arith.andi %eq3A_112, %lt3A_113 : vector<8x128xi1>
        %or3A_115 = arith.ori %gt3A_111, %and3A_114 : vector<8x128xi1>
        %select_n3A_116 = arith.select %or3A_115, %select_n3A_86, %select_n3A_76 : vector<8x128xi1>, vector<8x128xf32>
        %select_n3A_117 = arith.select %or3A_115, %select_n3A_87, %select_n3A_77 : vector<8x128xi1>, vector<8x128xi32>
        %select_n3A_118 = arith.select %or3A_115, %select_n3A_88, %select_n3A_78 : vector<8x128xi1>, vector<8x128xf32>
        %select_n3A_119 = arith.select %or3A_115, %select_n3A_89, %select_n3A_79 : vector<8x128xi1>, vector<8x128xf32>
        %select_n3A_120 = arith.select %or3A_115, %select_n3A_90, %select_n3A_80 : vector<8x128xi1>, vector<8x128xf32>
        %gt3A_121 = arith.cmpf ogt, %select_n3A_106, %select_n3A_96 : vector<8x128xf32>
        %eq3A_122 = arith.cmpf oeq, %select_n3A_106, %select_n3A_96 : vector<8x128xf32>
        %lt3A_123 = arith.cmpi slt, %select_n3A_107, %select_n3A_97 : vector<8x128xi32>
        %and3A_124 = arith.andi %eq3A_122, %lt3A_123 : vector<8x128xi1>
        %or3A_125 = arith.ori %gt3A_121, %and3A_124 : vector<8x128xi1>
        %select_n3A_126 = arith.select %or3A_125, %select_n3A_106, %select_n3A_96 : vector<8x128xi1>, vector<8x128xf32>
        %select_n3A_127 = arith.select %or3A_125, %select_n3A_107, %select_n3A_97 : vector<8x128xi1>, vector<8x128xi32>
        %select_n3A_128 = arith.select %or3A_125, %select_n3A_108, %select_n3A_98 : vector<8x128xi1>, vector<8x128xf32>
        %select_n3A_129 = arith.select %or3A_125, %select_n3A_109, %select_n3A_99 : vector<8x128xi1>, vector<8x128xf32>
        %select_n3A_130 = arith.select %or3A_125, %select_n3A_110, %select_n3A_100 : vector<8x128xi1>, vector<8x128xf32>
        %gt3A_131 = arith.cmpf ogt, %select_n3A_126, %select_n3A_116 : vector<8x128xf32>
        %eq3A_132 = arith.cmpf oeq, %select_n3A_126, %select_n3A_116 : vector<8x128xf32>
        %lt3A_133 = arith.cmpi slt, %select_n3A_127, %select_n3A_117 : vector<8x128xi32>
        %and3A_134 = arith.andi %eq3A_132, %lt3A_133 : vector<8x128xi1>
        %or3A_135 = arith.ori %gt3A_131, %and3A_134 : vector<8x128xi1>
        %select_n3A_136 = arith.select %or3A_135, %select_n3A_126, %select_n3A_116 : vector<8x128xi1>, vector<8x128xf32>
        %select_n3A_137 = arith.select %or3A_135, %select_n3A_127, %select_n3A_117 : vector<8x128xi1>, vector<8x128xi32>
        %select_n3A_138 = arith.select %or3A_135, %select_n3A_128, %select_n3A_118 : vector<8x128xi1>, vector<8x128xf32>
        %select_n3A_139 = arith.select %or3A_135, %select_n3A_129, %select_n3A_119 : vector<8x128xi1>, vector<8x128xf32>
        %select_n3A_140 = arith.select %or3A_135, %select_n3A_130, %select_n3A_120 : vector<8x128xi1>, vector<8x128xf32>
        %add3A_141 = arith.addi %select_n3A_137, %iota3A : vector<8x128xi32>
        %reduce_max3A = arith.constant dense<0xFF800000> : vector<8xf32>
        %reduce_max3A_142 = vector.multi_reduction <maximumf>, %select_n3A_136, %reduce_max3A [1] : vector<8x128xf32> to vector<8xf32>
        %broadcast_in_dim3A_143 = vector.shape_cast %reduce_max3A_142 : vector<8xf32> to vector<8x1xf32>
        %eq3A_144 = vector.broadcast %broadcast_in_dim3A_143 : vector<8x1xf32> to vector<8x128xf32>
        %eq3A_145 = arith.cmpf oeq, %select_n3A_136, %eq3A_144 : vector<8x128xf32>
        %jit3A = arith.constant 16384 : i32
        %broadcast_in_dim3A_146 = vector.broadcast %jit3A : i32 to vector<8x128xi32>
        %select_n3A_147 = arith.select %eq3A_145, %add3A_141, %broadcast_in_dim3A_146 : vector<8x128xi1>, vector<8x128xi32>
        %reduce_min3A = arith.constant dense<2147483647> : vector<8xi32>
        %reduce_min3A_148 = vector.multi_reduction <minsi>, %select_n3A_147, %reduce_min3A [1] : vector<8x128xi32> to vector<8xi32>
        %broadcast_in_dim3A_149 = vector.shape_cast %reduce_min3A_148 : vector<8xi32> to vector<8x1xi32>
        %eq3A_150 = vector.broadcast %broadcast_in_dim3A_149 : vector<8x1xi32> to vector<8x128xi32>
        %eq3A_151 = arith.cmpi eq, %select_n3A_147, %eq3A_150 : vector<8x128xi32>
        %jit3A_152 = arith.constant 0.000000e+00 : f32
        %broadcast_in_dim3A_153 = vector.broadcast %jit3A_152 : f32 to vector<8x128xf32>
        %select_n3A_154 = arith.select %eq3A_151, %select_n3A_138, %broadcast_in_dim3A_153 : vector<8x128xi1>, vector<8x128xf32>
        %reduce_sum3A = arith.constant dense<0.000000e+00> : vector<8xf32>
        %reduce_sum3A_155 = vector.multi_reduction <add>, %select_n3A_154, %reduce_sum3A [1] : vector<8x128xf32> to vector<8xf32>
        %broadcast_in_dim3A_156 = vector.shape_cast %reduce_sum3A_155 : vector<8xf32> to vector<8x1xf32>
        %jit3A_157 = arith.constant 0.000000e+00 : f32
        %broadcast_in_dim3A_158 = vector.broadcast %jit3A_157 : f32 to vector<8x128xf32>
        %select_n3A_159 = arith.select %eq3A_151, %select_n3A_139, %broadcast_in_dim3A_158 : vector<8x128xi1>, vector<8x128xf32>
        %reduce_sum3A_160 = arith.constant dense<0.000000e+00> : vector<8xf32>
        %reduce_sum3A_161 = vector.multi_reduction <add>, %select_n3A_159, %reduce_sum3A_160 [1] : vector<8x128xf32> to vector<8xf32>
        %broadcast_in_dim3A_162 = vector.shape_cast %reduce_sum3A_161 : vector<8xf32> to vector<8x1xf32>
        %jit3A_163 = arith.constant 0.000000e+00 : f32
        %broadcast_in_dim3A_164 = vector.broadcast %jit3A_163 : f32 to vector<8x128xf32>
        %select_n3A_165 = arith.select %eq3A_151, %select_n3A_140, %broadcast_in_dim3A_164 : vector<8x128xi1>, vector<8x128xf32>
        %reduce_sum3A_166 = arith.constant dense<0.000000e+00> : vector<8xf32>
        %reduce_sum3A_167 = vector.multi_reduction <add>, %select_n3A_165, %reduce_sum3A_166 [1] : vector<8x128xf32> to vector<8xf32>
        %broadcast_in_dim3A_168 = vector.shape_cast %reduce_sum3A_167 : vector<8xf32> to vector<8x1xf32>
        scf.yield %broadcast_in_dim3A_149, %broadcast_in_dim3A_156, %broadcast_in_dim3A_162, %broadcast_in_dim3A_168, %select_n3A : vector<8x1xi32>, vector<8x1xf32>, vector<8x1xf32>, vector<8x1xf32>, vector<8x128xi32>
      }
      %scan3A_31 = arith.constant 128 : i32
      %mul3A = arith.constant 128 : i32
      %mul3A_32 = arith.muli %scan3A_19, %mul3A : i32
      %multiple_of3A = tpu.assume_multiple %mul3A_32, 128 : i32
      %swap3A = arith.constant 0 : index
      %swap3A_33 = arith.index_cast %multiple_of3A : i32 to index
      %swap3A_34 = vector.load %arg3[%swap3A, %swap3A_33] : memref<8x512xi32, #tpu.memory_space<vmem>>, vector<8x128xi32>
      tpu.vector_store %arg3[%swap3A, %swap3A_33], %scan3A_30#4 {strides = array<i32>} : memref<8x512xi32, #tpu.memory_space<vmem>>, vector<8x128xi32>,
      scf.yield %scan3A_30#0, %scan3A_30#1, %scan3A_30#2, %scan3A_30#3 : vector<8x1xi32>, vector<8x1xf32>, vector<8x1xf32>, vector<8x1xf32>
    }
    %scan3A_18 = arith.constant 4 : i32
    return
  }
}

</mosaic_0001>

<sc_bundles>
// kernel: kernel.4.cloned.1.call-start
scs
__scs_entry_jumppad:
0x0: {  	(pc) =	sbr.rel $0x88, $3  }
0x1: {  	(tag) =	ssettag $0x0;
	lr =	simm.s32 $0x1  }
0x2: {  	[smem:$0x3FA0] =	sst lr;
	_ =	strace $0xD0000000  }
0x3: {  	_ = 	snop  }
0x4: {  	_ = 	snop  }
0x5: {  	_ = 	snop  }
0x6: {  	_ = 	snop  }
0x7: {  	_ = 	snop  }
__scs_overlays_trampoline_lowered:
0x8: {  	[smem:$0x3FAF] =	sst s0  }
0x9: {  	[smem:$0x3FB0] =	sst s1  }
0xa: {  	[smem:$0x3FB1] =	sst s2  }
0xb: {  	[smem:$0x3FB2] =	sst s3  }
0xc: {  	[smem:$0x3FB3] =	sst s4  }
0xd: {  	[smem:$0x3FB4] =	sst s5  }
0xe: {  	[smem:$0x3FB5] =	sst s6  }
0xf: {  	[smem:$0x3FB6] =	sst s7  }
0x10: {  	[smem:$0x3FB7] =	sst s8  }
0x11: {  	[smem:$0x3FB8] =	sst s9;
	s0 =	simm.s32 @!p0 $0x0  }
0x12: {  	s1 =	sld [smem:$0x3F9E];
	s0 =	simm.s32 @p0 $0x1  }
0x13: {  	[smem:$0x3FB9] =	sst s0;
	s0 =	simm.s32 @!p1 $0x0  }
0x14: {  	s2 =	sld [smem:$0x3F9D];
	s0 =	simm.s32 @p1 $0x1  }
0x15: {  	[smem:$0x3FBA] =	sst s0;
	s0 =	simm.s32 @!p2 $0x0  }
0x16: {  	s3 =	sld [smem:$0x3FDB];
	s0 =	simm.s32 @p2 $0x1  }
0x17: {  	s4 =	simm.s32 $0x1BF5;
	[smem:$0x3FBC] =	sst s0  }
0x18: {  	s0 =	sld [smem:$0x3F9F];
	_ =	swait.ge [sflag:s4], $0x0  }
0x19: {  	s7 =	sld [smem:$0x3FA0]  }
0x1a: {  	s8 =	sadd.s32 $0xFFFFE003, lr  }
0x1b: {  	s9 =	sadd.s32 $0xFFFFFEF7, lr;
	s5 =	simm.s32 $0xFFFFFFFF;
	p2 =	slt.u32 s8, $0xFFFFF086  }
0x1c: {  	p1 =	slt.u32 s9, $0xF7A;
	s5 =	simm.s32 @!p2 $0x0  }
0x1d: {  	s5 =	simm.s32 @p1 $0x1;
	p0 =	seq.s32 s7, s2  }
0x1e: {  	s7 =	smul.u32 @!p0 $0xF7A, s2;
	p2 =	seq.s32 @!p0 s5, $0x0  }
0x1f: {  	s9 =	smul.u32 $0xF7A, s1;
	s8 =	simm.s32 @!p0 $0x1BF5;
	p2 =	por !p2, p0  }
0x20: {  	[sflag:s8] =	ssyncset.s32 @!p0 $0xFFFFF086;
	s6 =	sadd.s32 @!p0 s3, s7;
	s7 =	simm.s32 @!p0 $0x108  }
0x21: {  	s3 =	sadd.s32 s3, s9;
	s6 =	sadd.s32 @!p0 $0x88, s6;
	s7 =	simm.s32 @p2 $0x1082  }
0x22: {  	[simem:s7], [sflag:s8] =	dma.local @!p0 [hbm:s6], $0xF7A  }
0x23: {  	s9 =	sor.u32 $0xD0000000, s2;
	s6 =	simm.s32 $0x108;
	_ =	swait.ge @!p0 [sflag:s8], $0x0  }
0x24: {  	s3 =	sadd.s32 $0x88, s3;
	s6 =	simm.s32 @!p1 $0x1082;
	[sflag:s4] =	ssyncset.s32 $0xFFFFF086  }
0x25: {  	[simem:s6], [sflag:s4] =	dma.local [hbm:s3], $0xF7A  }
0x26: {  	[smem:$0x3FA0] =	sst s1;
	(tag) =	ssettag s2;
	_ =	strace s9  }
0x27: {  	s1 =	sld [smem:$0x3FB0]  }
0x28: {  	s2 =	sld [smem:$0x3FB1]  }
0x29: {  	s4 =	sld [smem:$0x3FB3]  }
0x2a: {  	p0 =	seq.s32 s5, $0x0;
	s5 =	sld [smem:$0x3FB4]  }
0x2b: {  	s6 =	sld [smem:$0x3FB5]  }
0x2c: {  	s7 =	sld [smem:$0x3FB6]  }
0x2d: {  	s3 =	simm.s32 $0x108;
	s8 =	sld [smem:$0x3FB7]  }
0x2e: {  	s3 =	simm.s32 @!p0 $0x1082;
	s9 =	sld [smem:$0x3FB8]  }
0x2f: {  	lr =	sadd.s32 s0, s3;
	s0 =	sld [smem:$0x3FAF]  }
0x30: {  	s3 =	sld [smem:$0x3FB2]  }
0x31: {  	[smem:$0x3FBB] =	sst s10  }
0x32: {  	s10 =	sld [smem:$0x3FB9];
	_ =	sdelay $0x3  }
0x33: {  	p0 =	seq.s32 s10, $0x1;
	s10 =	sld [smem:$0x3FBB];
	_ =	sdelay $0x3  }
0x34: {  	[smem:$0x3FBB] =	sst s10  }
0x35: {  	s10 =	sld [smem:$0x3FBA];
	_ =	sdelay $0x3  }
0x36: {  	p1 =	seq.s32 s10, $0x1;
	s10 =	sld [smem:$0x3FBB];
	_ =	sdelay $0x3  }
0x37: {  	[smem:$0x3FBB] =	sst s10  }
0x38: {  	s10 =	sld [smem:$0x3FBC]  }
0x39: {  	_ = 	snop;
	(pc) =	sbr.ind lr, $3  }
0x3a: {  	_ = 	snop  }
0x3b: {  	_ = 	snop  }
0x3c: {  	p2 =	seq.s32 s10, $0x1;
	s10 =	sld [smem:$0x3FBB]  }
0x3d: {  	_ =	shalt  }
0x3e: {  	_ =	shalt  }
0x3f: {  	_ =	shalt  }
0x40: {  	_ =	shalt  }
0x41: {  	_ =	shalt  }
0x42: {  	_ =	shalt  }
0x43: {  	_ =	shalt  }
0x44: {  	_ =	shalt  }
0x45: {  	_ =	shalt  }
0x46: {  	_ =	shalt  }
0x47: {  	_ =	shalt  }
0x48: {  	_ =	shalt  }
0x49: {  	_ =	shalt  }
0x4a: {  	_ =	shalt  }
0x4b: {  	_ =	shalt  }
0x4c: {  	_ =	shalt  }
0x4d: {  	_ =	shalt  }
0x4e: {  	_ =	shalt  }
0x4f: {  	_ =	shalt  }
0x50: {  	_ =	shalt  }
0x51: {  	_ =	shalt  }
0x52: {  	_ =	shalt  }
0x53: {  	_ =	shalt  }
0x54: {  	_ =	shalt  }
0x55: {  	_ =	shalt  }
0x56: {  	_ =	shalt  }
0x57: {  	_ =	shalt  }
0x58: {  	_ =	shalt  }
0x59: {  	_ =	shalt  }
0x5a: {  	_ =	shalt  }
0x5b: {  	_ =	shalt  }
0x5c: {  	_ =	shalt  }
0x5d: {  	_ =	shalt  }
0x5e: {  	_ =	shalt  }
0x5f: {  	_ =	shalt  }
0x60: {  	_ =	shalt  }
0x61: {  	_ =	shalt  }
0x62: {  	_ =	shalt  }
0x63: {  	_ =	shalt  }
0x64: {  	_ =	shalt  }
0x65: {  	_ =	shalt  }
0x66: {  	_ =	shalt  }
0x67: {  	_ =	shalt  }
0x68: {  	_ =	shalt  }
0x69: {  	_ =	shalt  }
0x6a: {  	_ =	shalt  }
0x6b: {  	_ =	shalt  }
0x6c: {  	_ =	shalt  }
0x6d: {  	_ =	shalt  }
0x6e: {  	_ =	shalt  }
0x6f: {  	_ =	shalt  }
0x70: {  	_ =	shalt  }
0x71: {  	_ =	shalt  }
0x72: {  	_ =	shalt  }
0x73: {  	_ =	shalt  }
0x74: {  	_ =	shalt  }
0x75: {  	_ =	shalt  }
0x76: {  	_ =	shalt  }
0x77: {  	_ =	shalt  }
0x78: {  	_ =	shalt  }
0x79: {  	_ =	shalt  }
0x7a: {  	_ =	shalt  }
0x7b: {  	_ =	shalt  }
0x7c: {  	_ =	shalt  }
0x7d: {  	_ =	shalt  }
0x7e: {  	_ =	shalt  }
0x7f: {  	_ =	shalt  }
0x80: {  	_ =	shalt  }
0x81: {  	_ =	shalt  }
0x82: {  	_ =	shalt  }
0x83: {  	_ =	shalt  }
0x84: {  	_ =	shalt  }
0x85: {  	_ =	shalt  }
0x86: {  	_ =	shalt  }
0x87: {  	_ =	shalt  }
.Lfunc_end0:
.L_simem_size_0:
called_computation_lowered:
.L_overlay_start_0:
0x88: {  	s2 =	sld [smem:$0x3FD9]  }
0x89: {  	s3 =	sld [smem:$0x3FFE];
	_ =	sdelay $0x1  }
0x8a: {  	s1 =	srdreg.scid  }
0x8b: {  	s0 =	sand.u32 $0x1, s1  }
0x8c: {  	s17 =	sshll.u32 s0, $0xA;
	s2 =	sadd.s32 s3, s2  }
0x8d: {  	s2 =	sadd.s32 s2, s17  }
0x8e: {  	[smem:$0x3FC7] =	sst s2  }
0x8f: {  	_ = 	snop  }
0x90: {  	s2 =	sld [smem:$0x3FD0];
	(tm) =	ssettm $0x1  }
0x91: {  	s18 =	sld [smem:$0x3FFB];
	_ =	sdelay $0x3  }
0x92: {  	_ =	strace s18  }
0x93: {  	s3 =	sld [smem:$0x3FFC];
	_ =	sdelay $0x3  }
0x94: {  	_ =	strace s3  }
0x95: {  	s3 =	sld [smem:$0x3FFD];
	_ =	sdelay $0x3  }
0x96: {  	_ =	strace s3  }
0x97: {  	_ =	strace $0x8FFFFFFF  }
0x98: {  	s19 =	sld [smem:$0x3FDB];
	_ =	sdelay $0x1  }
0x99: {  	s4 =	simm.s32 $_scs_section_size  }
0x9a: {  	s5 =	simm.s32 $_size__tile_overlayer_lowered;
	s6 =	simm.s32 $_tile_overlayer_lowered  }
0x9b: {  	s22 =	simm.s32 $0x1BFF;
	s21 =	sshll.u32 s6, $0x1;
	s3 =	sadd.s32 s4, s19  }
0x9c: {  	s7 =	simm.s32 $0x0;
	s20 =	sshll.u32 s5, $0x1;
	s5 =	sadd.s32 s21, s3  }
0x9d: {  	[timem:s7], [sflag:s22] =	dma.local [hbm:s5], s20  }
0x9e: {  	_ =	swait.ge [sflag:s22], s20  }
0x9f: {  	s4 =	ssub.s32 $0x0, s20;
	[sflag:s22] =	ssyncset.done $0x0  }
0xa0: {  	[sflag:s22] =	ssyncadd.s32 s4;
	_ =	sdelay $0x1  }
0xa1: {  	s23 =	simm.s32 $0x1B8B  }
0xa2: {  	_ =	swait.ge [sflag:s23], $0x1  }
0xa3: {  	[sflag:s23] =	ssyncset.done $0x0  }
0xa4: {  	s25 =	simm.s32 $0x1B8E;
	s24 =	sld [smem:$0x3FFE];
	[sflag:s23] =	ssyncadd.s32 $0xFFFFFFFF  }
0xa5: {  	s26 =	simm.s32 $execute0_lowered;
	[smem:$0x3FD2] =	sst s25  }
0xa6: {  	s5 =	sshll.u32 s26, $0x1;
	_ =	strace $0x80000046;
	[dreg:$0x1] =	wrdreg $0xFFFFFFFF  }
0xa7: {  	s28 =	simm.s32 $_size_execute0_lowered;
	s3 =	sadd.s32 s3, s5;
	[dreg:$0x0] =	wrdreg $0x0  }
0xa8: {  	s5 =	sshll.u32 s28, $0x1;
	[dreg:$0x2] =	wrdreg s3  }
0xa9: {  	[dreg:$0x3] =	wrdreg s5  }
0xaa: {  	[dreg:$0x4] =	wrdreg $0xC0  }
0xab: {  	_ =	task [dreg:s7], $0x5FFFF  }
0xac: {  	[dreg:$0x1] =	wrdreg $0xFFFFFFFF  }
0xad: {  	[dreg:$0x0] =	wrdreg $0x60  }
0xae: {  	[dreg:$0x2] =	wrdreg s24  }
0xaf: {  	[dreg:$0x3] =	wrdreg s2  }
0xb0: {  	[dreg:$0x4] =	wrdreg $0xD3000  }
0xb1: {  	[dreg:$0x5] =	wrdreg $0x9  }
0xb2: {  	_ =	task.clear_ibuf [dreg:s7], $0x6FFFF;
	_ =	strace $0x90000046  }
0xb3: {  	s29 =	simm.s32 $0x9;
	_ =	strace $0x80000048  }
0xb4: {  	_ =	swait.ge [sflag:s29], $0x1  }
0xb5: {  	[sflag:s29] =	ssyncadd.s32 $0xFFFFFFFF  }
0xb6: {  	_ =	strace $0x90000048  }
0xb7: {  	_ =	sfence  }
0xb8: {  	s30 =	sld [smem:$0x0];
	_ =	sdelay $0x2  }
0xb9: {  	s31 =	sshll.u32 s1, $0xD;
	s1 =	sshrl.u32 s1, $0x2  }
0xba: {  	s3 =	sand.u32 $0x4000, s31;
	s1 =	sadd.s32 s1, s30  }
0xbb: {  	s0 =	sor.u32 s3, s0;
	s1 =	sshll.u32 s1, $0x11  }
0xbc: {  	s0 =	sor.u32 s1, s0  }
0xbd: {  	s0 =	sadd.s32 $0x8F2B, s0  }
0xbe: {  	[sflag:s0] =	ssyncadd.remote.s32 $0x1  }
0xbf: {  	_ =	sfence.sel $0xFFFF  }
0xc0: {  	[dreg:$0x0] =	wrdreg $0xFFFFFFFF;
	(pc) =	sbr.abs _section_cstart, $3  }
0xc1: {  	[dreg:$0x1] =	wrdreg $0xFFFFFFFF  }
0xc2: {  	_ =	task.clear_ibuf [dreg:s7], $0x2FFFF;
	_ =	strace $0x9FFFFFFF  }
0xc3: {  	(tm) =	ssettm $0x7FFFFFFF  }
tec
execute0_lowered:
.L_overlay_start_1:
0x0: {  	(tag) =	ssettag $0x1  }
0x1: {  	s0 =	rddreg [dreg:$0x0]  }
0x2: {  	s1 =	rddreg [dreg:$0x1]  }
0x3: {  	s2 =	rddreg [dreg:$0x2];
	s3 =	srdreg.scid  }
0x4: {  	s10 =	stileid.u32;
	s6 =	simm.s32 $0x0;
	s13 =	simm.s32 $0x1  }
0x5: {  	s3 =	sand.u32 $0x1, s3;
	s4 =	sshrl.u32 s10, $0x2;
	[smem:$0x7FF] =	sst s6  }
0x6: {  	s8 =	sand.u32 $0x3, s10;
	s29 =	sshll.u32 s10, $0x4;
	s5 =	sshll.u32 s3, $0x2  }
0x7: {  	s3 =	ssub.s32 $0x2, s3;
	_ =	strace $0x80000047;
	s9 =	sshll.u32 s8, $0xC  }
0x8: {  	p0 =	sne.s32 s8, $0x0;
	s5 =	sor.u32 s4, s5;
	s7 =	sshrl.u32 s3, $0x1  }
0x9: {  	s4 =	sshll.u32 s4, $0x6;
	s26 =	sshll.u32 s5, $0xB;
	s3 =	ssub.s32 s3, s7  }
0xa: {  	s18 =	sor.u32 $0x8040, s9;
	s0 =	sadd.s32 s26, s0;
	s31 =	smax.u32 s3, $0x1  }
0xb: {  	s12 =	sor.u32 $0x4040, s9;
	s6 =	sadd.s32 $0x800, s0;
	[dreg:$0x8] =	wrdreg s31  }
0xc: {  	s7 =	sadd.s32 s4, s2;
	s28 =	sadd.s32 $0x4800, s0;
	[dreg:$0x4] =	wrdreg s6  }
0xd: {  	s30 =	sshll.u32 s5, $0x6;
	s0 =	sadd.s32 $0x8800, s0;
	[dreg:$0x5] =	wrdreg s28  }
0xe: {  	v0 =	vlaneseq.u32;
	v2 =	vimm.f32 $1.000000000e+10;
	s3 =	simm.s32 $0x0;
	[dreg:$0x6] =	wrdreg s0;
	s0 =	sadd.s32 s1, s30  }
0xf: {  	vm0 =	vcmask $0x3F04;
	v4 =	vimm.s32 $0x0;
	v1 =	vor.u32 s9, v0;
	s6 =	sadd.s32 s29, s2;
	s2 =	sor.u32 $0x40, s9;
	[dreg:$0x7] =	wrdreg s0  }
.LBB2_1:
0x10: {  	[dreg:$0x9] =	wrdreg s3  }
0x11: {  	s0 =	simm.s32 $0x0;
	s1 =	rddreg [dreg:$0x4]  }
0x12: {  	[tilespmem:s0], [sflag:$0x1] =	stream.linear.gather [hbm4b:s1+s0], $0x4000, $0x38;
	[tilespmem:$0xD310] =	vst v63  }
0x13: {  	_ =	swait.ge [sflag:s13], $0x4000  }
0x14: {  	[sflag:s13] =	ssyncset.done $0x0  }
0x15: {  	s29 =	simm.s32 $0x4000;
	s28 =	rddreg [dreg:$0x5];
	[sflag:s13] =	ssyncadd.s32 $0xFFFFC000  }
0x16: {  	[tilespmem:s29], [sflag:$0x1] =	stream.linear.gather [hbm4b:s28+s0], $0x4000, $0x38;
	[tilespmem:$0xD310] =	vst v63  }
0x17: {  	_ =	swait.ge [sflag:s13], $0x4000  }
0x18: {  	[sflag:s13] =	ssyncset.done $0x0  }
0x19: {  	s31 =	simm.s32 $0x8000;
	s30 =	rddreg [dreg:$0x6];
	[sflag:s13] =	ssyncadd.s32 $0xFFFFC000  }
0x1a: {  	[tilespmem:s31], [sflag:$0x1] =	stream.linear.gather [hbm4b:s30+s0], $0x4000, $0x38;
	[tilespmem:$0xD310] =	vst v63  }
0x1b: {  	_ =	swait.ge [sflag:s13], $0x4000  }
0x1c: {  	[sflag:s13] =	ssyncset.done $0x0  }
0x1d: {  	s0 =	simm.s32 $0xC040;
	[sflag:s13] =	ssyncadd.s32 $0xFFFFC000  }
0x1e: {  	[tilespmem:s0+$0xFFFFFFC0] =	vst v2  }
0x1f: {  	[tilespmem:s0+$0x30] =	vst v2  }
0x20: {  	[tilespmem:s0+$0x20] =	vst v2  }
0x21: {  	[tilespmem:s0+$0x10] =	vst v2  }
0x22: {  	[tilespmem:s0+$0x0] =	vst v2  }
0x23: {  	[tilespmem:s0+$0xFFFFFFF0] =	vst v2  }
0x24: {  	s1 =	simm.s32 $0x0;
	[tilespmem:s0+$0xFFFFFFE0] =	vst v2  }
.LBB2_2:
0x25: {  	s1 =	sadd.s32 $0x80, s1;
	[tilespmem:s0+$0xFFFFFFD0] =	vst v2;
	s0 =	sadd.s32 $0x80, s0  }
0x26: {  	[tilespmem:s0+$0xFFFFFFC0] =	vst v2;
	p1 =	slt.u32 s1, $0xF80  }
0x27: {  	[tilespmem:s0+$0x30] =	vst v2  }
.Ltmp0:
0x28: {  	[tilespmem:s0+$0x20] =	vst v2;
	(pc) =	sbr.rel @p1 .LBB2_2-.Ltmp0, $4  }
0x29: {  	[tilespmem:s0+$0x10] =	vst v2  }
0x2a: {  	[tilespmem:s0+$0x0] =	vst v2  }
0x2b: {  	[tilespmem:s0+$0xFFFFFFF0] =	vst v2  }
0x2c: {  	[tilespmem:s0+$0xFFFFFFE0] =	vst v2  }
0x2d: {  	[tilespmem:s0+$0xFFFFFFD0] =	vst v2;
	s0 =	simm.s32 $0x0;
	s3 =	simm.s32 $0x0  }
.LBB2_4:
0x2e: {  	[dreg:$0xa] =	wrdreg s3;
	v3 =	vimm.s32 $0x0;
	s20 =	simm.s32 $0x0  }
.LBB2_5:
0x2f: {  	v5 =	vmov s0;
	_ =	sdelay $0x2  }
0x30: {  	v9 =	vld [tilespmem:s18+$0xFFFFFFC0]  }
0x31: {  	s3 =	simm.s32 $0x4000;
	v10 =	vld [tilespmem:s12+$0xFFFFFFC0]  }
0x32: {  	s4 =	simm.s32 $0x8000;
	v7 =	vld.idx.msk [tilespmem:v5+s3+$0x0], $0xffff  }
0x33: {  	v8 =	vld.idx.msk [tilespmem:v5+s4+$0x0], $0xffff  }
0x34: {  	s24 =	simm.s32 $0x0;
	v11 =	vld [tilespmem:s2+$0xFFFFFFC0]  }
0x35: {  	v6 =	vld.idx.msk [tilespmem:v5+s24+$0x0], $0xffff;
	_ =	sdelay $0x2  }
0x36: {  	v9 =	vsub.f32 v9, v8;
	v10 =	vsub.f32 v10, v7;
	_ =	sdelay $0x1  }
0x37: {  	s21 =	simm.s32 $0xC040;
	v11 =	vsub.f32 v11, v6;
	v9 =	vmul.f32 v9, v9;
	v10 =	vmul.f32 v10, v10  }
0x38: {  	v12 =	vld [tilespmem:s21+$0xFFFFFFC0]  }
0x39: {  	v11 =	vmul.f32 v11, v11;
	v9 =	vadd.f32 v9, v10;
	_ =	sdelay $0x1  }
0x3a: {  	v9 =	vadd.f32 v9, v11;
	_ =	sdelay $0x1  }
0x3b: {  	v10 =	vmin.f32 v12, v9  }
0x3c: {  	[tilespmem:s21+$0xFFFFFFC0] =	vst v10  }
0x3d: {  	v9 =	vld [tilespmem:s12+$0xFFFFFFD0]  }
0x3e: {  	v11 =	vld [tilespmem:s18+$0xFFFFFFD0];
	_ =	sdelay $0x1  }
0x3f: {  	v12 =	vld [tilespmem:s2+$0xFFFFFFD0];
	_ =	sdelay $0x2  }
0x40: {  	v9 =	vsub.f32 v9, v7;
	v11 =	vsub.f32 v11, v8;
	_ =	sdelay $0x1  }
0x41: {  	v12 =	vsub.f32 v12, v6;
	v9 =	vmul.f32 v9, v9;
	v11 =	vmul.f32 v11, v11  }
0x42: {  	v13 =	vld [tilespmem:s21+$0xFFFFFFD0]  }
0x43: {  	v12 =	vmul.f32 v12, v12;
	v9 =	vadd.f32 v11, v9  }
0x44: {  	s26 =	sadd.s32 $0x80, s18  }
0x45: {  	s30 =	sadd.s32 $0x80, s12;
	v11 =	vld [tilespmem:s26+$0xFFFFFFC0];
	v9 =	vadd.f32 v9, v12  }
0x46: {  	v12 =	vld [tilespmem:s30+$0xFFFFFFC0]  }
0x47: {  	s25 =	sadd.s32 $0x80, s2;
	v13 =	vmin.f32 v13, v9  }
0x48: {  	v9 =	vld [tilespmem:s25+$0xFFFFFFC0];
	[tilespmem:s21+$0xFFFFFFD0] =	vst v13  }
0x49: {  	v14 =	vld [tilespmem:s18+$0xFFFFFFE0]  }
0x4a: {  	v15 =	vld [tilespmem:s12+$0xFFFFFFE0]  }
0x4b: {  	v11 =	vsub.f32 v11, v8;
	v12 =	vsub.f32 v12, v7  }
0x4c: {  	v16 =	vld [tilespmem:s2+$0xFFFFFFE0]  }
0x4d: {  	s22 =	simm.s32 $0xC0C0;
	v11 =	vmul.f32 v11, v11;
	v9 =	vsub.f32 v9, v6;
	v12 =	vmul.f32 v12, v12  }
0x4e: {  	v17 =	vld [tilespmem:s22+$0xFFFFFFC0];
	v14 =	vsub.f32 v14, v8  }
0x4f: {  	v9 =	vmul.f32 v9, v9;
	v15 =	vsub.f32 v15, v7;
	v11 =	vadd.f32 v11, v12  }
0x50: {  	v12 =	vmul.f32 v14, v14  }
0x51: {  	v14 =	vsub.f32 v16, v6;
	v15 =	vmul.f32 v15, v15;
	v9 =	vadd.f32 v11, v9  }
0x52: {  	v11 =	vld [tilespmem:s21+$0xFFFFFFE0]  }
0x53: {  	v14 =	vmul.f32 v14, v14;
	v12 =	vadd.f32 v12, v15;
	v15 =	vmin.f32 v17, v9  }
0x54: {  	[tilespmem:s22+$0xFFFFFFC0] =	vst v15  }
0x55: {  	v9 =	vadd.f32 v12, v14;
	v12 =	vld [tilespmem:s30+$0xFFFFFFD0]  }
0x56: {  	v14 =	vld [tilespmem:s26+$0xFFFFFFD0]  }
0x57: {  	v11 =	vmin.f32 v11, v9  }
0x58: {  	v9 =	vld [tilespmem:s25+$0xFFFFFFD0];
	[tilespmem:s21+$0xFFFFFFE0] =	vst v11  }
0x59: {  	v16 =	vld [tilespmem:s12+$0xFFFFFFF0]  }
0x5a: {  	v17 =	vld [tilespmem:s18+$0xFFFFFFF0]  }
0x5b: {  	v18 =	vld [tilespmem:s2+$0xFFFFFFF0];
	v12 =	vsub.f32 v12, v7;
	v14 =	vsub.f32 v14, v8;
	_ =	sdelay $0x1  }
0x5c: {  	v9 =	vsub.f32 v9, v6;
	v12 =	vmul.f32 v12, v12;
	v14 =	vmul.f32 v14, v14  }
0x5d: {  	v19 =	vld [tilespmem:s22+$0xFFFFFFD0];
	v16 =	vsub.f32 v16, v7  }
0x5e: {  	v17 =	vsub.f32 v17, v8;
	v9 =	vmul.f32 v9, v9;
	v12 =	vadd.f32 v14, v12  }
0x5f: {  	v14 =	vsub.f32 v18, v6  }
0x60: {  	s29 =	sadd.s32 $0x80, s26;
	v18 =	vld [tilespmem:s21+$0xFFFFFFF0];
	v16 =	vmul.f32 v16, v16;
	v17 =	vmul.f32 v17, v17;
	v9 =	vadd.f32 v12, v9  }
0x61: {  	s31 =	sadd.s32 $0x80, s30;
	v12 =	vld [tilespmem:s29+$0xFFFFFFC0]  }
0x62: {  	s28 =	sadd.s32 $0x80, s25;
	v14 =	vmul.f32 v14, v14;
	v16 =	vadd.f32 v17, v16;
	v17 =	vmin.f32 v19, v9;
	v9 =	vld [tilespmem:s31+$0xFFFFFFC0]  }
0x63: {  	v19 =	vld [tilespmem:s28+$0xFFFFFFC0];
	[tilespmem:s22+$0xFFFFFFD0] =	vst v17  }
0x64: {  	v14 =	vadd.f32 v16, v14;
	v16 =	vld [tilespmem:s26+$0xFFFFFFE0]  }
0x65: {  	s23 =	simm.s32 $0xC140;
	v20 =	vld [tilespmem:s30+$0xFFFFFFE0]  }
0x66: {  	v21 =	vld [tilespmem:s23+$0xFFFFFFC0];
	v14 =	vmin.f32 v18, v14  }
0x67: {  	v12 =	vsub.f32 v12, v8;
	v18 =	vld [tilespmem:s25+$0xFFFFFFE0];
	[tilespmem:s21+$0xFFFFFFF0] =	vst v14;
	v9 =	vsub.f32 v9, v7  }
0x68: {  	v22 =	vld [tilespmem:s12+$0x0]  }
0x69: {  	v19 =	vsub.f32 v19, v6;
	v12 =	vmul.f32 v12, v12;
	v23 =	vld [tilespmem:s18+$0x0];
	v9 =	vmul.f32 v9, v9  }
0x6a: {  	v24 =	vld [tilespmem:s2+$0x0];
	v16 =	vsub.f32 v16, v8;
	v20 =	vsub.f32 v20, v7  }
0x6b: {  	v19 =	vmul.f32 v19, v19;
	v9 =	vadd.f32 v12, v9  }
0x6c: {  	v12 =	vmul.f32 v16, v16;
	v16 =	vsub.f32 v18, v6;
	v18 =	vmul.f32 v20, v20  }
0x6d: {  	v20 =	vsub.f32 v22, v7;
	v19 =	vadd.f32 v9, v19;
	v22 =	vld [tilespmem:s22+$0xFFFFFFE0]  }
0x6e: {  	v23 =	vsub.f32 v23, v8;
	v16 =	vmul.f32 v16, v16;
	v12 =	vadd.f32 v12, v18  }
0x6f: {  	v18 =	vsub.f32 v24, v6;
	v19 =	vmin.f32 v21, v19  }
0x70: {  	v20 =	vmul.f32 v20, v20;
	v21 =	vmul.f32 v23, v23;
	v23 =	vld [tilespmem:s21+$0x0];
	v12 =	vadd.f32 v12, v16;
	[tilespmem:s23+$0xFFFFFFC0] =	vst v19  }
0x71: {  	v9 =	vimm.f32 $-1.000000000e+00;
	v16 =	vld [tilespmem:s31+$0xFFFFFFD0]  }
0x72: {  	v18 =	vmul.f32 v18, v18;
	v20 =	vadd.f32 v21, v20;
	v21 =	vld [tilespmem:s29+$0xFFFFFFD0];
	v12 =	vmin.f32 v22, v12  }
0x73: {  	vm1 =	vgt.f32 v10, v9;
	vm2 =	vgt.f32 v13, v9;
	vm3 =	vgt.f32 v11, v9;
	v22 =	vld [tilespmem:s28+$0xFFFFFFD0];
	[tilespmem:s22+$0xFFFFFFE0] =	vst v12  }
0x74: {  	s5 =	simm.s32 $0x10;
	s1 =	simm.s32 $0x20;
	v10 =	vsel vm1, v10, v9;
	v13 =	vsel vm2, v13, v9;
	v18 =	vadd.f32 v20, v18;
	v20 =	vld [tilespmem:s26+$0xFFFFFFF0]  }
0x75: {  	v24 =	vsel vm2, s5, v4;
	v11 =	vsel vm3, v11, v9;
	v25 =	vsel vm3, s1, v4;
	v26 =	vld [tilespmem:s30+$0xFFFFFFF0]  }
0x76: {  	v28 =	vld [tilespmem:s23+$0xFFFFFFD0];
	v27 =	vsel vm1, s24, v4;
	vm2 =	vgt.f32 v15, v10;
	v18 =	vmin.f32 v23, v18  }
0x77: {  	vm1 =	vgt.f32 v17, v13;
	v23 =	vld [tilespmem:s25+$0xFFFFFFF0];
	v16 =	vsub.f32 v16, v7;
	[tilespmem:s21+$0x0] =	vst v18;
	v21 =	vsub.f32 v21, v8  }
0x78: {  	vm3 =	vgt.f32 v14, v9;
	v15 =	vsel vm2, v15, v10;
	v17 =	vsel vm1, v17, v13;
	v10 =	vld [tilespmem:s18+$0x10]  }
0x79: {  	v13 =	vsub.f32 v22, v6;
	v22 =	vld [tilespmem:s12+$0x10];
	v16 =	vmul.f32 v16, v16;
	v21 =	vmul.f32 v21, v21  }
0x7a: {  	s9 =	simm.s32 $0x90;
	v14 =	vsel vm3, v14, v9;
	v29 =	vld [tilespmem:s2+$0x10];
	v26 =	vsub.f32 v26, v7;
	v20 =	vsub.f32 v20, v8  }
0x7b: {  	v31 =	vsel vm1, s9, v24;
	v13 =	vmul.f32 v13, v13;
	v16 =	vadd.f32 v21, v16  }
0x7c: {  	s8 =	simm.s32 $0x30;
	v24 =	vld [tilespmem:s22+$0xFFFFFFF0];
	v21 =	vsub.f32 v23, v6;
	v23 =	vmul.f32 v26, v26;
	v20 =	vmul.f32 v20, v20  }
0x7d: {  	s0 =	sadd.s32 $0x80, s28;
	v30 =	vsel vm3, s8, v4;
	v26 =	vld [tilespmem:s21+$0x10];
	v10 =	vsub.f32 v10, v8;
	v13 =	vadd.f32 v16, v13  }
0x7e: {  	s1 =	sadd.s32 $0x80, s29;
	v16 =	vmul.f32 v21, v21;
	v21 =	vsub.f32 v22, v7;
	v22 =	vld [tilespmem:s0+$0xFFFFFFC0];
	v20 =	vadd.f32 v20, v23  }
0x7f: {  	s3 =	sadd.s32 $0x80, s31;
	vm1 =	vgt.f32 v12, v11;
	v23 =	vsub.f32 v29, v6;
	v29 =	vld [tilespmem:s1+$0xFFFFFFC0];
	v28 =	vmin.f32 v28, v13  }
0x80: {  	s4 =	simm.s32 $0xA0;
	v10 =	vmul.f32 v10, v10;
	v13 =	vmul.f32 v21, v21;
	v21 =	vld [tilespmem:s3+$0xFFFFFFC0];
	[tilespmem:s23+$0xFFFFFFD0] =	vst v28;
	v16 =	vadd.f32 v20, v16  }
0x81: {  	v25 =	vsel vm1, s4, v25;
	vm3 =	vgt.f32 v18, v9;
	v20 =	vsel vm1, v12, v11;
	v32 =	vld [tilespmem:s29+$0xFFFFFFE0]  }
0x82: {  	s5 =	simm.s32 $0x80;
	v11 =	vmul.f32 v23, v23;
	v23 =	vadd.f32 v10, v13;
	v33 =	vld [tilespmem:s31+$0xFFFFFFE0];
	v16 =	vmin.f32 v24, v16  }
0x83: {  	s10 =	simm.s32 $0x40;
	v35 =	vsel vm3, v18, v9;
	vm1 =	vgt.f32 v19, v15;
	v13 =	vsel vm2, s5, v27;
	v18 =	vld [tilespmem:s28+$0xFFFFFFE0];
	[tilespmem:s22+$0xFFFFFFF0] =	vst v16  }
0x84: {  	v10 =	vsel vm3, s10, v4;
	v12 =	vsel vm1, v19, v15;
	v15 =	vadd.f32 v23, v11;
	v19 =	vld [tilespmem:s30+$0x0]  }
0x85: {  	vm2 =	vgt.f32 v28, v17;
	v23 =	vsub.f32 v29, v8;
	v21 =	vsub.f32 v21, v7;
	v24 =	vld [tilespmem:s25+$0x0]  }
0x86: {  	s19 =	simm.s32 $0xC1C0;
	v11 =	vsel vm2, v28, v17;
	v17 =	vsub.f32 v22, v6;
	v22 =	vld [tilespmem:s26+$0x0];
	v15 =	vmin.f32 v26, v15  }
0x87: {  	v26 =	vld [tilespmem:s19+$0xFFFFFFC0];
	v23 =	vmul.f32 v23, v23;
	v27 =	vsub.f32 v32, v8;
	[tilespmem:s21+$0x10] =	vst v15;
	v21 =	vmul.f32 v21, v21  }
0x88: {  	vm3 =	vgt.f32 v16, v14;
	v17 =	vmul.f32 v17, v17;
	v29 =	vsub.f32 v33, v7;
	v28 =	vld [tilespmem:s12+$0x20]  }
0x89: {  	v18 =	vsub.f32 v18, v6;
	v59 =	vld [tilespmem:s18+$0x20];
	v27 =	vmul.f32 v27, v27;
	v21 =	vadd.f32 v23, v21  }
0x8a: {  	v23 =	vld [tilespmem:s2+$0x20];
	v29 =	vmul.f32 v29, v29;
	v19 =	vsub.f32 v19, v7;
	v60 =	vsub.f32 v24, v6  }
0x8b: {  	v16 =	vsel vm3, v16, v14;
	v14 =	vadd.f32 v21, v17;
	v17 =	vld [tilespmem:s23+$0xFFFFFFE0];
	v21 =	vsub.f32 v22, v8  }
0x8c: {  	v24 =	vld [tilespmem:s21+$0x30];
	v22 =	vmul.f32 v18, v18;
	v27 =	vadd.f32 v27, v29;
	v19 =	vmul.f32 v19, v19  }
0x8d: {  	s11 =	simm.s32 $0xB0;
	v29 =	vld [tilespmem:s21+$0x20];
	v28 =	vsub.f32 v28, v7;
	v26 =	vmin.f32 v26, v14;
	v14 =	vmul.f32 v21, v21  }
0x8e: {  	v18 =	vsel vm3, s11, v30;
	v21 =	vld [tilespmem:s22+$0x0];
	v30 =	vsub.f32 v59, v8;
	v22 =	vadd.f32 v27, v22;
	[tilespmem:s19+$0xFFFFFFC0] =	vst v26  }
0x8f: {  	v27 =	vmul.f32 v60, v60;
	v23 =	vsub.f32 v23, v6;
	v61 =	vld [tilespmem:s3+$0xFFFFFFD0];
	v14 =	vadd.f32 v14, v19  }
0x90: {  	s14 =	simm.s32 $0x110;
	v19 =	vmul.f32 v28, v28;
	v28 =	vmul.f32 v30, v30;
	v30 =	vld [tilespmem:s0+$0xFFFFFFD0];
	v22 =	vmin.f32 v17, v22  }
0x91: {  	v17 =	vsel vm2, s14, v31;
	vm2 =	vgt.f32 v15, v9;
	v31 =	vld [tilespmem:s1+$0xFFFFFFD0];
	v62 =	vmul.f32 v23, v23  }
0x92: {  	s15 =	simm.s32 $0x50;
	[tilespmem:s23+$0xFFFFFFE0] =	vst v22;
	v14 =	vadd.f32 v14, v27;
	v19 =	vadd.f32 v28, v19;
	vm3 =	vgt.f32 v22, v20;
	v27 =	vld [tilespmem:s19+$0xFFFFFFD0]  }
0x93: {  	s16 =	simm.s32 $0x120;
	v23 =	vsel vm2, v15, v9;
	v15 =	vsel vm2, s15, v4;
	v37 =	vld [tilespmem:s28+$0xFFFFFFF0];
	v22 =	vsel vm3, v22, v20  }
0x94: {  	v28 =	vld [tilespmem:s29+$0xFFFFFFF0];
	v20 =	vmin.f32 v21, v14;
	v21 =	vadd.f32 v19, v62;
	v14 =	vsel vm3, s16, v25  }
0x95: {  	v34 =	vld [tilespmem:s31+$0xFFFFFFF0];
	v25 =	vimm.s32 $0x0;
	v63 =	vsub.f32 v61, v7;
	[tilespmem:s22+$0x0] =	vst v20;
	vm2 =	vgt.f32 v20, v35  }
0x96: {  	s17 =	simm.s32 $0x60;
	s8 =	simm.s32 $0x180;
	v30 =	vsub.f32 v30, v6;
	v19 =	vsel vm2, v20, v35;
	v32 =	vld [tilespmem:s26+$0x10];
	v20 =	vmin.f32 v29, v21  }
0x97: {  	s9 =	simm.s32 $0x100;
	s4 =	simm.s32 $0xC1C0;
	s10 =	smov.u32 s2;
	v36 =	vsub.f32 v31, v8;
	v29 =	vld [tilespmem:s25+$0x10];
	v35 =	vmul.f32 v63, v63;
	[tilespmem:s21+$0x20] =	vst v20;
	vm3 =	vgt.f32 v20, v9  }
0x98: {  	s11 =	smov.u32 s18;
	s14 =	simm.s32 $0x200;
	s16 =	simm.s32 $0xC0;
	v33 =	vsub.f32 v37, v6;
	v21 =	vsel vm3, v20, v9;
	v20 =	vsel vm3, s17, v4;
	v31 =	vld [tilespmem:s12+$0x30]  }
.LBB2_6:
0x99: {  	p1 =	slt.u32 s14, $0xF80;
	v13 =	vsel vm1, s9, v13;
	vm1 =	vgt.f32 v26, v12;
	v10 =	vsel vm2, s16, v10;
	v37 =	vld [tilespmem:s30+$0x10];
	s16 =	smov.u32 s14;
	s14 =	sadd.s32 $0x80, s14  }
0x9a: {  	v36 =	vmul.f32 v36, v36;
	v28 =	vsub.f32 v28, v8;
	v34 =	vsub.f32 v34, v7;
	v38 =	vld [tilespmem:s11+$0x30];
	s11 =	smov.u32 s26;
	s26 =	smov.u32 s29;
	s29 =	smov.u32 s1  }
0x9b: {  	v12 =	vsel vm1, v26, v12;
	v26 =	vmul.f32 v30, v30;
	v30 =	vsub.f32 v32, v8;
	v32 =	vld [tilespmem:s10+$0x30];
	s10 =	smov.u32 s25;
	s25 =	smov.u32 s28;
	s28 =	smov.u32 s0  }
0x9c: {  	s15 =	smov.u32 s3;
	v35 =	vadd.f32 v36, v35;
	v28 =	vmul.f32 v28, v28;
	v34 =	vmul.f32 v34, v34;
	v36 =	vld [tilespmem:s22+$0x10]  }
0x9d: {  	s19 =	sadd.s32 $0x80, s19;
	v29 =	vsub.f32 v29, v6;
	v39 =	vld [tilespmem:s23+$0xFFFFFFF0];
	v30 =	vmul.f32 v30, v30;
	v31 =	vsub.f32 v31, v7  }
0x9e: {  	v33 =	vmul.f32 v33, v33;
	s0 =	sadd.s32 $0x80, s0;
	v26 =	vadd.f32 v35, v26;
	v40 =	vld [tilespmem:s19+$0xFFFFFFC0];
	v35 =	vsub.f32 v37, v7  }
0x9f: {  	s1 =	sadd.s32 $0x80, s1;
	v28 =	vadd.f32 v28, v34;
	v37 =	vld [tilespmem:s0+$0xFFFFFFC0];
	v34 =	vsub.f32 v38, v8;
	v31 =	vmul.f32 v31, v31  }
0xa0: {  	s3 =	sadd.s32 $0x80, s3;
	v26 =	vmin.f32 v27, v26;
	v38 =	vld [tilespmem:s1+$0xFFFFFFC0];
	v27 =	vmul.f32 v35, v35;
	v32 =	vsub.f32 v32, v6  }
0xa1: {  	vm2 =	vgt.f32 v26, v11;
	v28 =	vadd.f32 v28, v33;
	v35 =	vld [tilespmem:s3+$0xFFFFFFC0];
	[tilespmem:s4+$0xFFFFFFD0] =	vst v26;
	v33 =	vmul.f32 v34, v34  }
0xa2: {  	v29 =	vmul.f32 v29, v29;
	v34 =	vld [tilespmem:s29+$0xFFFFFFE0];
	v27 =	vadd.f32 v30, v27;
	v30 =	vmul.f32 v32, v32  }
0xa3: {  	v11 =	vsel vm2, v26, v11;
	v28 =	vmin.f32 v39, v28;
	v26 =	vld [tilespmem:s15+$0xFFFFFFE0];
	v31 =	vadd.f32 v33, v31  }
0xa4: {  	vm3 =	vgt.f32 v28, v16;
	v32 =	vsub.f32 v37, v6;
	v33 =	vld [tilespmem:s28+$0xFFFFFFE0];
	[tilespmem:s23+$0xFFFFFFF0] =	vst v28;
	v27 =	vadd.f32 v27, v29  }
0xa5: {  	s17 =	sadd.s32 $0x30, s9;
	v16 =	vsel vm3, v28, v16;
	v29 =	vsub.f32 v38, v8;
	v28 =	vld [tilespmem:s31+$0x0];
	v30 =	vadd.f32 v31, v30  }
0xa6: {  	v18 =	vsel vm3, s17, v18;
	v31 =	vsub.f32 v35, v7;
	v35 =	vld [tilespmem:s25+$0x0];
	v36 =	vmin.f32 v36, v27  }
0xa7: {  	v27 =	vmul.f32 v29, v29;
	v29 =	vsub.f32 v34, v8;
	v34 =	vld [tilespmem:s26+$0x0];
	[tilespmem:s22+$0x10] =	vst v36;
	v24 =	vmin.f32 v24, v30  }
0xa8: {  	s17 =	sadd.s32 $0x70, s24;
	s24 =	smov.u32 s5;
	s5 =	smov.u32 s9;
	v30 =	vmul.f32 v32, v32;
	v31 =	vmul.f32 v31, v31;
	v32 =	vld [tilespmem:s30+$0x20];
	[tilespmem:s21+$0x30] =	vst v24;
	vm3 =	vgt.f32 v24, v9  }
0xa9: {  	s9 =	smov.u32 s8;
	s8 =	smov.u32 s16;
	v26 =	vsub.f32 v26, v7;
	s21 =	smov.u32 s22;
	v29 =	vmul.f32 v29, v29;
	v37 =	vld [tilespmem:s11+$0x20];
	v9 =	vsel vm3, v24, v9  }
0xaa: {  	s22 =	smov.u32 s23;
	s23 =	smov.u32 s4;
	s4 =	smov.u32 s19;
	v25 =	vsel vm3, s17, v25;
	v27 =	vadd.f32 v27, v31;
	v28 =	vsub.f32 v28, v7;
	v31 =	vld [tilespmem:s10+$0x20]  }
0xab: {  	v33 =	vsub.f32 v33, v6;
	v26 =	vmul.f32 v26, v26;
	v35 =	vsub.f32 v35, v6;
	v24 =	vld [tilespmem:s21+$0x30]  }
0xac: {  	v27 =	vadd.f32 v27, v30;
	v30 =	vld [tilespmem:s23+$0xFFFFFFE0];
	v34 =	vsub.f32 v34, v8;
	v28 =	vmul.f32 v28, v28  }
0xad: {  	v33 =	vmul.f32 v33, v33;
	v29 =	vadd.f32 v29, v26;
	v32 =	vsub.f32 v32, v7;
	v38 =	vld [tilespmem:s21+$0x20]  }
0xae: {  	v26 =	vmin.f32 v40, v27;
	v34 =	vmul.f32 v34, v34;
	v39 =	vld [tilespmem:s22+$0x0];
	v37 =	vsub.f32 v37, v8  }
0xaf: {  	v29 =	vadd.f32 v29, v33;
	[tilespmem:s19+$0xFFFFFFC0] =	vst v26;
	v27 =	vld [tilespmem:s19+$0xFFFFFFD0];
	v31 =	vsub.f32 v31, v6;
	v32 =	vmul.f32 v32, v32  }
0xb0: {  	s16 =	sadd.s32 $0x10, s9;
	v35 =	vmul.f32 v35, v35;
	v33 =	vld [tilespmem:s3+$0xFFFFFFD0];
	v28 =	vadd.f32 v34, v28;
	v34 =	vmul.f32 v37, v37  }
0xb1: {  	v17 =	vsel vm2, s16, v17;
	vm2 =	vgt.f32 v36, v23;
	v37 =	vld [tilespmem:s0+$0xFFFFFFD0];
	v29 =	vmin.f32 v30, v29  }
0xb2: {  	s16 =	sadd.s32 $0x50, s24;
	v31 =	vmul.f32 v31, v31;
	v40 =	vld [tilespmem:s1+$0xFFFFFFD0];
	[tilespmem:s23+$0xFFFFFFE0] =	vst v29;
	v30 =	vadd.f32 v28, v35;
	v32 =	vadd.f32 v34, v32  }
0xb3: {  	v23 =	vsel vm2, v36, v23;
	v15 =	vsel vm2, s16, v15;
	vm3 =	vgt.f32 v29, v22;
	v41 =	vld [tilespmem:s28+$0xFFFFFFF0]  }
.Ltmp1:
0xb4: {  	s16 =	sadd.s32 $0x20, s9;
	v22 =	vsel vm3, v29, v22;
	v28 =	vld [tilespmem:s29+$0xFFFFFFF0];
	v29 =	vmin.f32 v39, v30;
	v31 =	vadd.f32 v32, v31;
	(pc) =	sbr.rel @p1 .LBB2_6-.Ltmp1, $4  }
0xb5: {  	v14 =	vsel vm3, s16, v14;
	v33 =	vsub.f32 v33, v7;
	v34 =	vld [tilespmem:s15+$0xFFFFFFF0];
	[tilespmem:s22+$0x0] =	vst v29;
	vm2 =	vgt.f32 v29, v19  }
0xb6: {  	v30 =	vsub.f32 v37, v6;
	v19 =	vsel vm2, v29, v19;
	v32 =	vld [tilespmem:s26+$0x10];
	v31 =	vmin.f32 v38, v31  }
0xb7: {  	s17 =	sadd.s32 $0x60, s24;
	v36 =	vsub.f32 v40, v8;
	v35 =	vmul.f32 v33, v33;
	v29 =	vld [tilespmem:s25+$0x10];
	[tilespmem:s21+$0x20] =	vst v31;
	vm3 =	vgt.f32 v31, v21  }
0xb8: {  	s16 =	sadd.s32 $0x40, s5;
	v33 =	vsub.f32 v41, v6;
	v21 =	vsel vm3, v31, v21;
	v20 =	vsel vm3, s17, v20;
	v31 =	vld [tilespmem:s30+$0x30];
	s30 =	smov.u32 s31;
	s31 =	smov.u32 s15  }
0xb9: {  	v36 =	vmul.f32 v36, v36;
	_ =	sdelay $0x1  }
0xba: {  	v30 =	vmul.f32 v30, v30;
	v35 =	vadd.f32 v36, v35;
	_ =	sdelay $0x1  }
0xbb: {  	v30 =	vadd.f32 v35, v30;
	_ =	sdelay $0x1  }
0xbc: {  	v30 =	vmin.f32 v27, v30  }
0xbd: {  	[tilespmem:s4+$0xFFFFFFD0] =	vst v30  }
0xbe: {  	v53 =	vld [tilespmem:s1+$0xFFFFFFE0]  }
0xbf: {  	v54 =	vld [tilespmem:s3+$0xFFFFFFE0];
	_ =	sdelay $0x1  }
0xc0: {  	v55 =	vld [tilespmem:s0+$0xFFFFFFE0];
	_ =	sdelay $0x2  }
0xc1: {  	v27 =	vsub.f32 v53, v8;
	v35 =	vsub.f32 v54, v7;
	_ =	sdelay $0x1  }
0xc2: {  	v36 =	vsub.f32 v55, v6;
	v27 =	vmul.f32 v27, v27;
	v35 =	vmul.f32 v35, v35  }
0xc3: {  	v37 =	vld [tilespmem:s4+$0xFFFFFFE0]  }
0xc4: {  	v36 =	vmul.f32 v36, v36;
	v27 =	vadd.f32 v27, v35;
	_ =	sdelay $0x1  }
0xc5: {  	v27 =	vadd.f32 v27, v36;
	_ =	sdelay $0x1  }
0xc6: {  	v56 =	vsub.f32 v28, v8;
	v34 =	vsub.f32 v34, v7;
	v28 =	vmin.f32 v37, v27  }
0xc7: {  	v59 =	vld [tilespmem:s23+$0xFFFFFFF0];
	[tilespmem:s4+$0xFFFFFFE0] =	vst v28  }
0xc8: {  	v58 =	vmul.f32 v56, v56;
	v57 =	vmul.f32 v34, v34;
	v60 =	vld [tilespmem:s1+$0xFFFFFFF0]  }
0xc9: {  	v61 =	vld [tilespmem:s3+$0xFFFFFFF0]  }
0xca: {  	v33 =	vmul.f32 v33, v33;
	v27 =	vadd.f32 v58, v57  }
0xcb: {  	v62 =	vld [tilespmem:s0+$0xFFFFFFF0]  }
0xcc: {  	v27 =	vadd.f32 v27, v33;
	_ =	sdelay $0x1  }
0xcd: {  	v35 =	vmin.f32 v59, v27;
	v63 =	vsub.f32 v61, v7;
	v40 =	vsub.f32 v60, v8  }
0xce: {  	v38 =	vld [tilespmem:s4+$0xFFFFFFF0];
	[tilespmem:s23+$0xFFFFFFF0] =	vst v35  }
0xcf: {  	v41 =	vld [tilespmem:s31+$0x0];
	v33 =	vsub.f32 v62, v6;
	v27 =	vmul.f32 v63, v63;
	v34 =	vmul.f32 v40, v40  }
0xd0: {  	v42 =	vld [tilespmem:s29+$0x0]  }
0xd1: {  	v33 =	vmul.f32 v33, v33;
	v27 =	vadd.f32 v34, v27  }
0xd2: {  	v43 =	vld [tilespmem:s28+$0x0]  }
0xd3: {  	v27 =	vadd.f32 v27, v33;
	_ =	sdelay $0x1  }
0xd4: {  	v44 =	vld [tilespmem:s30+$0x10];
	v36 =	vsub.f32 v41, v7;
	v37 =	vsub.f32 v42, v8;
	v27 =	vmin.f32 v38, v27  }
0xd5: {  	v45 =	vld [tilespmem:s23+$0x0];
	[tilespmem:s4+$0xFFFFFFF0] =	vst v27  }
0xd6: {  	v34 =	vsub.f32 v43, v6;
	v36 =	vmul.f32 v36, v36;
	v37 =	vmul.f32 v37, v37;
	v39 =	vld [tilespmem:s3+$0x0]  }
0xd7: {  	v40 =	vld [tilespmem:s1+$0x0]  }
0xd8: {  	v34 =	vmul.f32 v34, v34;
	v36 =	vadd.f32 v37, v36  }
0xd9: {  	v32 =	vsub.f32 v32, v8;
	v46 =	vld [tilespmem:s0+$0x0]  }
0xda: {  	v34 =	vadd.f32 v36, v34  }
0xdb: {  	v47 =	vmul.f32 v32, v32;
	v33 =	vsub.f32 v44, v7  }
0xdc: {  	v51 =	vld [tilespmem:s4+$0x0];
	v32 =	vmin.f32 v45, v34;
	v48 =	vsub.f32 v39, v7;
	v49 =	vsub.f32 v40, v8  }
0xdd: {  	v29 =	vsub.f32 v29, v6;
	v41 =	vld [tilespmem:s22+$0x10];
	v33 =	vmul.f32 v33, v33;
	[tilespmem:s23+$0x0] =	vst v32  }
0xde: {  	v50 =	vld [tilespmem:s29+$0x10];
	v37 =	vsub.f32 v46, v6;
	v34 =	vmul.f32 v48, v48;
	v38 =	vmul.f32 v49, v49  }
0xdf: {  	v29 =	vmul.f32 v29, v29;
	v33 =	vadd.f32 v47, v33;
	v52 =	vld [tilespmem:s31+$0x10]  }
0xe0: {  	v37 =	vmul.f32 v37, v37;
	v34 =	vadd.f32 v38, v34  }
0xe1: {  	v29 =	vadd.f32 v33, v29;
	v53 =	vld [tilespmem:s28+$0x10]  }
0xe2: {  	v54 =	vadd.f32 v34, v37  }
0xe3: {  	v38 =	vmin.f32 v41, v29  }
0xe4: {  	v43 =	vld [tilespmem:s23+$0x10];
	v36 =	vsub.f32 v50, v8;
	v39 =	vsub.f32 v52, v7;
	[tilespmem:s22+$0x10] =	vst v38;
	v29 =	vmin.f32 v51, v54  }
0xe5: {  	v55 =	vld [tilespmem:s30+$0x20];
	[tilespmem:s4+$0x0] =	vst v29  }
0xe6: {  	v40 =	vsub.f32 v53, v6;
	v36 =	vmul.f32 v36, v36;
	v39 =	vmul.f32 v39, v39;
	v58 =	vld [tilespmem:s1+$0x10]  }
0xe7: {  	v42 =	vld [tilespmem:s3+$0x10]  }
0xe8: {  	v56 =	vld [tilespmem:s26+$0x20];
	v40 =	vmul.f32 v40, v40;
	v36 =	vadd.f32 v36, v39  }
0xe9: {  	vm3 =	vgt.f32 v26, v12;
	v31 =	vsub.f32 v31, v7;
	v59 =	vld [tilespmem:s0+$0x10]  }
0xea: {  	v13 =	vsel vm1, s9, v13;
	v12 =	vsel vm3, v26, v12;
	v57 =	vld [tilespmem:s25+$0x20];
	v36 =	vadd.f32 v36, v40  }
0xeb: {  	v13 =	vsel vm3, s8, v13;
	v31 =	vmul.f32 v31, v31;
	vm4 =	vgt.f32 v30, v11;
	v60 =	vld [tilespmem:s10+$0x30]  }
0xec: {  	v44 =	vld [tilespmem:s11+$0x30];
	v36 =	vmin.f32 v43, v36;
	v41 =	vsub.f32 v58, v8;
	v42 =	vsub.f32 v42, v7  }
0xed: {  	v11 =	vsel vm4, v30, v11;
	v62 =	vld [tilespmem:s4+$0x10];
	v34 =	vsub.f32 v55, v7;
	v37 =	vsub.f32 v56, v8;
	[tilespmem:s23+$0x10] =	vst v36  }
0xee: {  	v63 =	vld [tilespmem:s31+$0x20];
	v39 =	vsub.f32 v59, v6;
	v41 =	vmul.f32 v41, v41;
	v42 =	vmul.f32 v42, v42  }
0xef: {  	v33 =	vsub.f32 v57, v6;
	v34 =	vmul.f32 v34, v34;
	v37 =	vmul.f32 v37, v37;
	v47 =	vld [tilespmem:s29+$0x20]  }
0xf0: {  	vm1 =	vgt.f32 v35, v16;
	v61 =	vld [tilespmem:s22+$0x20];
	v39 =	vmul.f32 v39, v39;
	v41 =	vadd.f32 v41, v42  }
0xf1: {  	s19 =	sadd.s32 $0x70, s24;
	s24 =	sadd.s32 $0x10, s8;
	v44 =	vsub.f32 v44, v8;
	v33 =	vmul.f32 v33, v33;
	v48 =	vld [tilespmem:s28+$0x20];
	v34 =	vadd.f32 v37, v34  }
0xf2: {  	v17 =	vsel vm4, s24, v17;
	v16 =	vsel vm1, v35, v16;
	v39 =	vadd.f32 v41, v39  }
0xf3: {  	v44 =	vmul.f32 v44, v44;
	v40 =	vsub.f32 v60, v6;
	v33 =	vadd.f32 v34, v33  }
0xf4: {  	v51 =	vsub.f32 v63, v7;
	v34 =	vsub.f32 v47, v8;
	v37 =	vmin.f32 v62, v39  }
0xf5: {  	v31 =	vadd.f32 v44, v31;
	v40 =	vmul.f32 v40, v40;
	v59 =	vld [tilespmem:s23+$0x20];
	v33 =	vmin.f32 v61, v33;
	[tilespmem:s4+$0x10] =	vst v37  }
0xf6: {  	s17 =	sadd.s32 $0x30, s9;
	v57 =	vsub.f32 v48, v6;
	v56 =	vmul.f32 v51, v51;
	v34 =	vmul.f32 v34, v34;
	v52 =	vld [tilespmem:s3+$0x20]  }
0xf7: {  	v18 =	vsel vm1, s17, v18;
	vm10 =	vgt.f32 v32, v19;
	v49 =	vadd.f32 v31, v40;
	[tilespmem:s22+$0x20] =	vst v33;
	v54 =	vld [tilespmem:s1+$0x20]  }
0xf8: {  	v19 =	vsel vm10, v32, v19;
	v50 =	vld [tilespmem:s30+$0x30];
	v35 =	vmul.f32 v57, v57;
	v26 =	vadd.f32 v34, v56  }
0xf9: {  	v53 =	vsel vm2, s16, v10;
	vm2 =	vgt.f32 v38, v23;
	v10 =	vmin.f32 v24, v49;
	v58 =	vld [tilespmem:s0+$0x20]  }
0xfa: {  	v23 =	vsel vm2, v38, v23;
	vm1 =	vgt.f32 v10, v9;
	v55 =	vld [tilespmem:s26+$0x30];
	s26 =	sadd.s32 $0x50, s5;
	v26 =	vadd.f32 v26, v35  }
0xfb: {  	v9 =	vsel vm1, v10, v9;
	v15 =	vsel vm2, s26, v15;
	vm2 =	vgt.f32 v33, v21  }
0xfc: {  	v60 =	vld [tilespmem:s25+$0x30];
	v26 =	vmin.f32 v59, v26;
	v61 =	vsub.f32 v52, v7;
	v30 =	vsub.f32 v54, v8  }
0xfd: {  	v44 =	vld [tilespmem:s4+$0x20];
	v25 =	vsel vm1, s19, v25;
	vm1 =	vgt.f32 v28, v22;
	v21 =	vsel vm2, v33, v21;
	[tilespmem:s23+$0x20] =	vst v26  }
0xfe: {  	s30 =	sadd.s32 $0x60, s5;
	v45 =	vld [tilespmem:s31+$0x30];
	v63 =	vsub.f32 v58, v6;
	v42 =	vmul.f32 v61, v61;
	v30 =	vmul.f32 v30, v30  }
0xff: {  	v20 =	vsel vm2, s30, v20;
	v31 =	vsub.f32 v50, v7;
	v24 =	vsub.f32 v55, v8;
	v46 =	vld [tilespmem:s29+$0x30]  }
0x100: {  	vm2 =	vgt.f32 v36, v23;
	v35 =	vmul.f32 v63, v63;
	v30 =	vadd.f32 v30, v42  }
0x101: {  	v38 =	vsub.f32 v60, v6;
	v31 =	vmul.f32 v31, v31;
	v24 =	vmul.f32 v24, v24;
	v48 =	vld [tilespmem:s28+$0x30]  }
0x102: {  	v22 =	vsel vm1, v28, v22;
	v41 =	vld [tilespmem:s22+$0x30];
	v23 =	vsel vm2, v36, v23;
	s29 =	sadd.s32 $0x20, s8;
	v30 =	vadd.f32 v30, v35  }
0x103: {  	v47 =	vmul.f32 v38, v38;
	v24 =	vadd.f32 v24, v31;
	v14 =	vsel vm1, s29, v14  }
0x104: {  	s31 =	sadd.s32 $0x40, s9;
	v52 =	vsub.f32 v45, v7;
	v32 =	vsub.f32 v46, v8;
	v30 =	vmin.f32 v44, v30  }
0x105: {  	v62 =	vld [tilespmem:s23+$0x30];
	vm1 =	vgt.f32 v27, v16;
	v50 =	vsel vm10, s31, v53;
	v24 =	vadd.f32 v24, v47;
	[tilespmem:s4+$0x20] =	vst v30  }
0x106: {  	s11 =	sadd.s32 $0x30, s8;
	v31 =	vsub.f32 v48, v6;
	v35 =	vmul.f32 v52, v52;
	v32 =	vmul.f32 v32, v32;
	v51 =	vld [tilespmem:s3+$0x30]  }
0x107: {  	v16 =	vsel vm1, v27, v16;
	v18 =	vsel vm1, s11, v18;
	v24 =	vmin.f32 v41, v24;
	v53 =	vld [tilespmem:s1+$0x30]  }
0x108: {  	s15 =	sadd.s32 $0x50, s9;
	vm1 =	vgt.f32 v24, v9;
	v31 =	vmul.f32 v31, v31;
	v32 =	vadd.f32 v32, v35  }
0x109: {  	s14 =	sadd.s32 $0x70, s5;
	v15 =	vsel vm2, s15, v15;
	vm2 =	vgt.f32 v26, v21;
	v9 =	vsel vm1, v24, v9;
	v54 =	vld [tilespmem:s0+$0x30]  }
0x10a: {  	s16 =	sadd.s32 $0x60, s9;
	v25 =	vsel vm1, s14, v25;
	vm1 =	vgt.f32 v29, v19;
	v56 =	vadd.f32 v32, v31  }
0x10b: {  	v21 =	vsel vm2, v26, v21;
	v20 =	vsel vm2, s16, v20;
	v19 =	vsel vm1, v29, v19  }
0x10c: {  	s17 =	sadd.s32 $0x40, s8;
	v57 =	vmin.f32 v62, v56;
	v7 =	vsub.f32 v51, v7;
	v55 =	vsub.f32 v53, v8  }
0x10d: {  	v58 =	vsel vm1, s17, v50;
	vm1 =	vgt.f32 v37, v23;
	vm2 =	vgt.f32 v57, v9  }
0x10e: {  	s24 =	sadd.s32 $0x50, s8;
	s19 =	sadd.s32 $0x70, s9;
	v6 =	vsub.f32 v54, v6;
	v7 =	vmul.f32 v7, v7;
	v8 =	vmul.f32 v55, v55  }
0x10f: {  	v49 =	vld [tilespmem:s4+$0x30];
	v15 =	vsel vm1, s24, v15;
	v9 =	vsel vm2, v57, v9;
	v25 =	vsel vm2, s19, v25  }
0x110: {  	vm2 =	vgt.f32 v30, v21;
	v6 =	vmul.f32 v6, v6;
	v7 =	vadd.f32 v8, v7  }
0x111: {  	vm3 =	vlt.s32 v17, v13;
	vm12 =	vlt.s32 v15, v58;
	v21 =	vsel vm2, v30, v21  }
0x112: {  	s25 =	sadd.s32 $0x60, s8;
	v6 =	vadd.f32 v7, v6;
	v7 =	vsel vm1, v37, v23;
	vm1 =	veq.f32 v11, v12  }
0x113: {  	v20 =	vsel vm2, s25, v20;
	vm1 =	vmand vm1, vm3;
	vm3 =	vgt.f32 v11, v12  }
0x114: {  	vm2 =	veq.f32 v16, v22;
	v6 =	vmin.f32 v49, v6;
	vm1 =	vmor vm3, vm1  }
0x115: {  	vm3 =	vlt.s32 v18, v14;
	vm11 =	vgt.f32 v6, v9;
	v11 =	vsel vm1, v11, v12  }
0x116: {  	s26 =	sadd.s32 $0x70, s8;
	v60 =	vsel vm1, v17, v13;
	vm1 =	vgt.f32 v16, v22;
	vm2 =	vmand vm2, vm3  }
0x117: {  	vm3 =	veq.f32 v7, v19;
	v9 =	vsel vm11, v6, v9;
	v59 =	vsel vm11, s26, v25  }
0x118: {  	vm1 =	vmor vm1, vm2;
	vm2 =	vgt.f32 v7, v19;
	vm3 =	vmand vm3, vm12  }
0x119: {  	vm2 =	vmor vm2, vm3;
	vm3 =	veq.f32 v9, v21;
	vm13 =	vlt.s32 v59, v20  }
0x11a: {  	v61 =	vsel vm1, v16, v22;
	vm14 =	vgt.f32 v9, v21;
	v14 =	vsel vm1, v18, v14  }
0x11b: {  	vm3 =	vmand vm3, vm13;
	v7 =	vsel vm2, v7, v19;
	v8 =	vsel vm2, v15, v58  }
0x11c: {  	vm2 =	veq.f32 v61, v11;
	vm1 =	vmor vm14, vm3;
	vm3 =	vlt.s32 v14, v60  }
0x11d: {  	v9 =	vsel vm1, v9, v21;
	v62 =	vsel vm1, v59, v20;
	vm1 =	vgt.f32 v61, v11  }
0x11e: {  	vm2 =	vmand vm2, vm3;
	vm3 =	veq.f32 v9, v7;
	vm15 =	vlt.s32 v62, v8  }
0x11f: {  	vm1 =	vmor vm1, vm2;
	vm2 =	vmand vm3, vm15;
	vm3 =	vgt.f32 v9, v7  }
0x120: {  	v11 =	vsel vm1, v61, v11;
	vm2 =	vmor vm3, vm2  }
0x121: {  	v12 =	vsel vm1, v14, v60;
	v7 =	vsel vm2, v9, v7;
	v8 =	vsel vm2, v62, v8  }
0x122: {  	vm1 =	veq.f32 v7, v11;
	vm2 =	vlt.s32 v8, v12  }
0x123: {  	vm3 =	vgt.f32 v7, v11;
	vm1 =	vmand vm1, vm2  }
0x124: {  	vm1 =	vmor vm3, vm1  }
0x125: {  	v7 =	vsel vm1, v7, v11  }
0x126: {  	(xrf0) =	vmax.scan.msk.f32 $0xffff, v7;
	_ =	sdelay $0x5  }
0x127: {  	v63, _, _ =	vpop (xrf0)  }
0x128: {  	v8 =	vsel vm1, v8, v12;
	v9 =	vbroadcast v63, $0xF  }
0x129: {  	v8 =	vadd.s32 v8, v1  }
0x12a: {  	vm1 =	veq.f32 v7, v9;
	v7 =	vxor.u32 $0x80000000, v8  }
0x12b: {  	v7 =	vnsel vm1, $0x80004000, v7  }
0x12c: {  	(xrf0) =	vmin.scan.msk.u32 $0xffff, v7;
	_ =	sdelay $0x5  }
0x12d: {  	v7, _, _ =	vpop (xrf0)  }
0x12e: {  	(v2sf) =	vpush v7, $0xF;
	_ =	sdelay $0xd  }
0x12f: {  	[tilespmem:s21+$0x30] =	vst v10  }
0x130: {  	[tilespmem:s22+$0x30] =	vst v24;
	s28 =	spop (v2sf)  }
0x131: {  	[tilespmem:s23+$0x30] =	vst v57;
	s0 =	sxor.u32 $0x80000000, s28  }
0x132: {  	[tilespmem:s4+$0x30] =	vst v6;
	v6 =	vsel vm0, s0, v9  }
0x133: {  	s29 =	simm.s32 $0xD200;
	[tilespmem:$0xD200] =	vst v6  }
0x134: {  	[spmem:s6] =	stream.linear.scatter [tilespmem:s29], [sflag:$0x1], $0x10, $0x38;
	[tilespmem:$0xD310] =	vst v63  }
0x135: {  	_ =	swait.ge [sflag:s13], $0x10  }
0x136: {  	[sflag:s13] =	ssyncset.done $0x0  }
0x137: {  	[sflag:s13] =	ssyncadd.s32 $0xFFFFFFF0  }
0x138: {  	s30 =	simm.s32 $0xD280;
	[bflag:$0x0] =	sbarrier.arrive $0xFFFF  }
0x139: {  	[tilespmem:s30], [sflag:$0x1] =	stream.linear.gather [spmem:s7], $0x40, $0x38;
	[tilespmem:$0xD310] =	vst v63  }
0x13a: {  	_ =	swait.ge [sflag:s13], $0x40  }
0x13b: {  	[sflag:s13] =	ssyncset.done $0x0  }
0x13c: {  	[sflag:s13] =	ssyncadd.s32 $0xFFFFFFC0  }
0x13d: {  	v6 =	vld [tilespmem:$0xD280];
	_ =	sdelay $0x4  }
0x13e: {  	(v2sf) =	vpush v6, $0x0  }
0x13f: {  	v7 =	vld [tilespmem:$0xD290];
	(v2sf) =	vpush v6, $0x1;
	_ =	sdelay $0x4  }
0x140: {  	v6 =	vld [tilespmem:$0xD2A0];
	(v2sf) =	vpush v7, $0x0  }
0x141: {  	(v2sf) =	vpush v7, $0x1;
	_ =	sdelay $0x3  }
0x142: {  	(v2sf) =	vpush v6, $0x0  }
0x143: {  	(v2sf) =	vpush v6, $0x1;
	v6 =	vld [tilespmem:$0xD2B0];
	_ =	sdelay $0x2  }
0x144: {  	s1 =	spop (v2sf)  }
0x145: {  	s0 =	spop (v2sf);
	p1 =	seq.f32 s1, $-1.000000000e+00  }
0x146: {  	(v2sf) =	vpush v6, $0x0;
	p2 =	slt.s32 s0, $0x0  }
0x147: {  	p3 =	sgt.f32 s1, $-1.000000000e+00;
	(v2sf) =	vpush v6, $0x1;
	p1 =	por !p2, !p1  }
0x148: {  	p1 =	por !p1, !p1  }
0x149: {  	p1 =	por p3, p1  }
0x14a: {  	s3 =	spop (v2sf);
	s1 =	simm.s32 @!p1 $0xBF800000  }
0x14b: {  	s4 =	spop (v2sf);
	s0 =	simm.s32 @!p1 $0x0;
	p4 =	seq.f32 s3, s1  }
0x14c: {  	p5 =	slt.s32 s4, s0  }
0x14d: {  	p6 =	sgt.f32 s3, s1;
	p1 =	por !p4, !p5  }
0x14e: {  	p1 =	por !p1, !p1  }
0x14f: {  	p1 =	por p6, p1  }
0x150: {  	s5 =	spop (v2sf);
	s1 =	smov.u32 @p1 s3  }
0x151: {  	s8 =	spop (v2sf);
	s0 =	smov.u32 @p1 s4;
	p4 =	seq.f32 s5, s1  }
0x152: {  	p5 =	slt.s32 s8, s0  }
0x153: {  	p6 =	sgt.f32 s5, s1;
	p1 =	por !p4, !p5  }
0x154: {  	p1 =	por !p1, !p1  }
0x155: {  	s31 =	spop (v2sf);
	p1 =	por p6, p1  }
0x156: {  	s4 =	spop (v2sf);
	s1 =	smov.u32 @p1 s5;
	s0 =	smov.u32 @p1 s8  }
0x157: {  	p1 =	seq.f32 s31, s1;
	p2 =	slt.s32 s4, s0;
	s5 =	smov.u32 s0  }
0x158: {  	v6 =	vmov s20;
	s20 =	sadd.s32 $0x1, s20;
	s5 =	smov.u32 @p2 s4  }
0x159: {  	s0 =	smov.u32 @p1 s5;
	p1 =	sne.s32 s20, $0x10  }
.Ltmp2:
0x15a: {  	_ = 	snop;
	(pc) =	sbr.rel @p1 .LBB2_5-.Ltmp2, $4  }
0x15b: {  	_ = 	snop  }
0x15c: {  	p3 =	sgt.f32 s31, s1  }
0x15d: {  	vm1 =	veq.s32 v6, v0  }
0x15e: {  	v3 =	vsel vm1, v5, v3;
	s0 =	smov.u32 @p3 s4  }
0x15f: {  	s3 =	rddreg [dreg:$0xa]  }
0x160: {  	s1 =	sshll.u32 s3, $0x4;
	s3 =	sadd.s32 $0x1, s3  }
0x161: {  	p1 =	sne.s32 s3, $0x20  }
.Ltmp3:
0x162: {  	_ = 	snop;
	(pc) =	sbr.rel @p1 .LBB2_4-.Ltmp3, $3  }
0x163: {  	_ =	sdelay $0x1  }
0x164: {  	s1 =	sand.u32 $0x3FFFFFF0, s1  }
0x165: {  	[tilespmem:s1+$0xD000] =	vst v3  }
0x166: {  	s0 =	simm.s32 @!p0 $0x0;
	s1 =	simm.s32 @!p0 $0xD000;
	s3 =	rddreg [dreg:$0x7]  }
0x167: {  	[hbm4b:s3+s0] =	stream.linear.scatter @!p0 [tilespmem:s1], [sflag:$0x1], $0x200, $0x38;
	[tilespmem:$0xD310] =	vst v63  }
0x168: {  	s0 =	simm.s32 @!p0 $0x1  }
0x169: {  	_ =	swait.ge @!p0 [sflag:s0], $0x200  }
0x16a: {  	s30 =	rddreg [dreg:$0x9]  }
0x16b: {  	s31 =	rddreg [dreg:$0x8];
	s3 =	sadd.s32 $0x1, s30  }
0x16c: {  	p1 =	sne.s32 s3, s31  }
.Ltmp4:
0x16d: {  	_ = 	snop;
	(pc) =	sbr.rel @p1 .LBB2_1-.Ltmp4, $3  }
0x16e: {  	_ =	sdelay $0x1  }
0x16f: {  	[sflag:s0] =	ssyncset.done @!p0 $0x0  }
0x170: {  	[sflag:s0] =	ssyncadd.s32 @!p0 $0xFFFFFE00  }
0x171: {  	_ =	sfence.sel $0x180000  }
0x172: {  	[bflag:$0x0] =	sbarrier.arrive $0xFFFF  }
0x173: {  	_ =	strace $0x90000047  }
0x174: {  	s0 =	stileid.u32;
	[bflag:$0x2] =	sbarrier.arrive $0xFFFF  }
0x175: {  	p0 =	sne.s32 s0, $0x0;
	s0 =	rddreg [dreg:$0x3]  }
0x176: {  	s0 =	sadd.s32 @!p0 $0x100000, s0  }
0x177: {  	[sflag:s0] =	ssyncadd.tile.s32 @!p0 $0x1;
	_ =	shalt  }
.Lfunc_end2:
_tile_overlayer_lowered:
.L_overlay_start_2:
0x178: {  	(tag) =	ssettag $0x2  }
0x179: {  	s0 =	rddreg [dreg:$0x0];
	s2 =	stileid.u32  }
0x17a: {  	s1 =	rddreg [dreg:$0x1];
	p0 =	sne.s32 s2, $0x0  }
0x17b: {  	s3 =	rddreg [dreg:$0x2];
	[bflag:$0x3] =	sbarrier.arrive $0xFFFF;
	s2 =	simm.s32 @!p0 $0x1C01  }
0x17c: {  	[timem:s3], [sflag:s2] =	dma.local @!p0 [hbm:s0], s1  }
0x17d: {  	s0 =	simm.s32 @!p0 $0x1  }
0x17e: {  	_ =	swait.ge @!p0 [sflag:s0], s1  }
0x17f: {  	s1 =	ssub.s32 @!p0 $0x0, s1;
	[sflag:s0] =	ssyncset.done @!p0 $0x0  }
0x180: {  	[sflag:s0] =	ssyncadd.s32 @!p0 s1  }
0x181: {  	[bflag:$0x3] =	sbarrier.arrive $0xFFFF  }
0x182: {  	_ =	shalt  }

</sc_bundles>
